<compile_context>
chip_gen: v7x
topology: tpu7x:2x2x1
jax: 0.10.2.dev20260603
libtpu: 0.0.44.dev20260713+nightly
codegen_flags: <defaults>
</compile_context>

<pallas_src>
import jax
import jax.numpy as jnp
from jax import lax
from jax.experimental import pallas as pl
from jax.experimental.pallas import tpu as pltpu
from jax.experimental.pallas import tpu_sc as plsc

N = 10000
E = 320000
D = 128
NC = 2
NS = 16
NW = NC * NS
EPT = E // NW
CHUNK = 128
NCHUNK = 80
EPT_PAD = NCHUNK * CHUNK
ACC_ROWS = 10240
TRASH = N + 100
ZROWS_PER_TILE = ACC_ROWS // NS
DEG_W = 128
ROWBLK = 2000



def _sc_mesh():
    return plsc.VectorSubcoreMesh(core_axis_name="c", subcore_axis_name="s")


def _deg_body(rows_hbm, zeros_hbm, ones_hbm, out_hbm,
              ridx0, ridx1, buf, acc, sr0, sr1):
    c = lax.axis_index("c")
    s = lax.axis_index("s")
    wid = c * NS + s
    pltpu.sync_copy(zeros_hbm, buf)
    for z in range(ZROWS_PER_TILE // CHUNK):
        pltpu.sync_copy(buf, acc.at[pl.ds(s * ZROWS_PER_TILE + z * CHUNK, CHUNK)])
    pltpu.sync_copy(ones_hbm, buf)
    plsc.subcore_barrier()
    pltpu.async_copy(rows_hbm.at[wid, 0], ridx0, sr0)
    pltpu.async_copy(rows_hbm.at[wid, 1], ridx1, sr1)

    def body(jj, carry):
        j = jj * 2
        pltpu.make_async_copy(rows_hbm.at[wid, j], ridx0, sr0).wait()
        pltpu.sync_copy(buf, acc.at[ridx0], add=True)

        @pl.when(j + 2 < NCHUNK)
        def _pf0():
            pltpu.async_copy(rows_hbm.at[wid, j + 2], ridx0, sr0)

        pltpu.make_async_copy(rows_hbm.at[wid, j + 1], ridx1, sr1).wait()
        pltpu.sync_copy(buf, acc.at[ridx1], add=True)

        @pl.when(j + 3 < NCHUNK)
        def _pf1():
            pltpu.async_copy(rows_hbm.at[wid, j + 3], ridx1, sr1)

        return carry

    lax.fori_loop(0, NCHUNK // 2, body, 0)
    plsc.subcore_barrier()
    pltpu.sync_copy(acc.at[pl.ds(s * ZROWS_PER_TILE, ZROWS_PER_TILE)],
                    out_hbm.at[c, pl.ds(s * ZROWS_PER_TILE, ZROWS_PER_TILE)])


def _hop_body(g_hbm, rows_hbm, cols_hbm, zeros_hbm, out_hbm,
              cols_v, ridx0, ridx1, buf0, buf1, acc,
              sg0, sg1, sr0, sr1):
    c = lax.axis_index("c")
    s = lax.axis_index("s")
    wid = c * NS + s
    pltpu.sync_copy(zeros_hbm, buf0)
    for z in range(ZROWS_PER_TILE // CHUNK):
        pltpu.sync_copy(buf0, acc.at[pl.ds(s * ZROWS_PER_TILE + z * CHUNK, CHUNK)])
    pltpu.sync_copy(cols_hbm.at[wid], cols_v)
    plsc.subcore_barrier()

    pltpu.async_copy(g_hbm.at[cols_v.at[0]], buf0, sg0)
    pltpu.async_copy(g_hbm.at[cols_v.at[1]], buf1, sg1)
    pltpu.async_copy(rows_hbm.at[wid, 0], ridx0, sr0)
    pltpu.async_copy(rows_hbm.at[wid, 1], ridx1, sr1)

    def body(jj, carry):
        j = jj * 2
        pltpu.make_async_copy(g_hbm.at[cols_v.at[j]], buf0, sg0).wait()
        pltpu.make_async_copy(rows_hbm.at[wid, j], ridx0, sr0).wait()
        pltpu.sync_copy(buf0, acc.at[ridx0], add=True)

        @pl.when(j + 2 < NCHUNK)
        def _pf0():
            pltpu.async_copy(g_hbm.at[cols_v.at[j + 2]], buf0, sg0)
            pltpu.async_copy(rows_hbm.at[wid, j + 2], ridx0, sr0)

        pltpu.make_async_copy(g_hbm.at[cols_v.at[j + 1]], buf1, sg1).wait()
        pltpu.make_async_copy(rows_hbm.at[wid, j + 1], ridx1, sr1).wait()
        pltpu.sync_copy(buf1, acc.at[ridx1], add=True)

        @pl.when(j + 3 < NCHUNK)
        def _pf1():
            pltpu.async_copy(g_hbm.at[cols_v.at[j + 3]], buf1, sg1)
            pltpu.async_copy(rows_hbm.at[wid, j + 3], ridx1, sr1)

        return carry

    lax.fori_loop(0, NCHUNK // 2, body, 0)
    plsc.subcore_barrier()
    pltpu.sync_copy(acc.at[pl.ds(s * ZROWS_PER_TILE, ZROWS_PER_TILE)],
                    out_hbm.at[c, pl.ds(s * ZROWS_PER_TILE, ZROWS_PER_TILE)])


def _run_deg(rows_pad):
    fn = pl.kernel(
        _deg_body,
        out_type=jax.ShapeDtypeStruct((NC, ACC_ROWS, DEG_W), jnp.float32),
        mesh=_sc_mesh(),
        scratch_types=[
            pltpu.VMEM((CHUNK,), jnp.int32),
            pltpu.VMEM((CHUNK,), jnp.int32),
            pltpu.VMEM((CHUNK, DEG_W), jnp.float32),
            pltpu.VMEM_SHARED((ACC_ROWS, DEG_W), jnp.float32),
            pltpu.SemaphoreType.DMA,
            pltpu.SemaphoreType.DMA,
        ],
    )
    zeros = jnp.zeros((CHUNK, DEG_W), jnp.float32)
    ones = jnp.ones((CHUNK, DEG_W), jnp.float32)
    return fn(rows_pad, zeros, ones)


def _run_hop(g, rows_pad, cols_pad):
    fn = pl.kernel(
        _hop_body,
        out_type=jax.ShapeDtypeStruct((NC, ACC_ROWS, D), jnp.float32),
        mesh=_sc_mesh(),
        scratch_types=[
            pltpu.VMEM((NCHUNK, CHUNK), jnp.int32),
            pltpu.VMEM((CHUNK,), jnp.int32),
            pltpu.VMEM((CHUNK,), jnp.int32),
            pltpu.VMEM((CHUNK, D), jnp.float32),
            pltpu.VMEM((CHUNK, D), jnp.float32),
            pltpu.VMEM_SHARED((ACC_ROWS, D), jnp.float32),
            pltpu.SemaphoreType.DMA,
            pltpu.SemaphoreType.DMA,
            pltpu.SemaphoreType.DMA,
            pltpu.SemaphoreType.DMA,
        ],
    )
    zeros = jnp.zeros((CHUNK, D), jnp.float32)
    return fn(g, rows_pad, cols_pad, zeros)



def _deg_from_parts(dp_ref):
    return dp_ref[0, :, 0:1] + dp_ref[1, :, 0:1] + 1.0


def _mm_body(dp_ref, x_ref, w_ref, y_ref):
    y = lax.dot_general(x_ref[...], w_ref[...],
                        (((1,), (1,)), ((), ())),
                        preferred_element_type=jnp.float32)
    y_ref[...] = y * lax.rsqrt(_deg_from_parts(dp_ref))


def _run_mm_scale(dp, x, W):
    grid = N // ROWBLK
    return pl.pallas_call(
        _mm_body,
        grid=(grid,),
        in_specs=[
            pl.BlockSpec((NC, ROWBLK, DEG_W), lambda i: (0, i, 0)),
            pl.BlockSpec((ROWBLK, D), lambda i: (i, 0)),
            pl.BlockSpec((D, D), lambda i: (0, 0)),
        ],
        out_specs=pl.BlockSpec((ROWBLK, D), lambda i: (i, 0)),
        out_shape=jax.ShapeDtypeStruct((N, D), jnp.float32),
    )(dp, x, W)


def _mid_body(dp_ref, p_ref, g0_ref, g1_ref):
    g1_ref[...] = (p_ref[0] + p_ref[1] + g0_ref[...]) / _deg_from_parts(dp_ref)


def _run_mid(dp, p, g0):
    grid = N // ROWBLK
    return pl.pallas_call(
        _mid_body,
        grid=(grid,),
        in_specs=[
            pl.BlockSpec((NC, ROWBLK, DEG_W), lambda i: (0, i, 0)),
            pl.BlockSpec((NC, ROWBLK, D), lambda i: (0, i, 0)),
            pl.BlockSpec((ROWBLK, D), lambda i: (i, 0)),
        ],
        out_specs=pl.BlockSpec((ROWBLK, D), lambda i: (i, 0)),
        out_shape=jax.ShapeDtypeStruct((N, D), jnp.float32),
    )(dp, p, g0)


def _final_body(dp_ref, q_ref, g1_ref, b_ref, o_ref):
    z = ((q_ref[0] + q_ref[1] + g1_ref[...]) * lax.rsqrt(_deg_from_parts(dp_ref))
         + b_ref[...])
    m = jnp.max(z, axis=1, keepdims=True)
    lse = jnp.log(jnp.sum(jnp.exp(z - m), axis=1, keepdims=True)) + m
    o_ref[...] = z - lse


def _run_final(dp, q, g1, b):
    grid = N // ROWBLK
    return pl.pallas_call(
        _final_body,
        grid=(grid,),
        in_specs=[
            pl.BlockSpec((NC, ROWBLK, DEG_W), lambda i: (0, i, 0)),
            pl.BlockSpec((NC, ROWBLK, D), lambda i: (0, i, 0)),
            pl.BlockSpec((ROWBLK, D), lambda i: (i, 0)),
            pl.BlockSpec((1, D), lambda i: (0, 0)),
        ],
        out_specs=pl.BlockSpec((ROWBLK, D), lambda i: (i, 0)),
        out_shape=jax.ShapeDtypeStruct((N, D), jnp.float32),
    )(dp, q, g1, b)



def kernel(x, edge_index, W, b):
    row = edge_index[0].reshape(NW, EPT)
    col = edge_index[1].reshape(NW, EPT)
    pad = EPT_PAD - EPT
    rows_pad = jnp.pad(row, ((0, 0), (0, pad)), constant_values=TRASH)
    cols_pad = jnp.pad(col, ((0, 0), (0, pad)), constant_values=0)
    rows_pad = rows_pad.reshape(NW, NCHUNK, CHUNK)
    cols_pad = cols_pad.reshape(NW, NCHUNK, CHUNK)

    dp = _run_deg(rows_pad)
    g0 = _run_mm_scale(dp, x, W)
    p = _run_hop(g0, rows_pad, cols_pad)
    g1 = _run_mid(dp, p, g0)
    q = _run_hop(g1, rows_pad, cols_pad)
    return _run_final(dp, q, g1, b.reshape(1, D))

# --- scband reference (transcript-rebuilt; emitter-appended) ---
"""Pipeline reference for scband-sgcmodel-6700148982288 (READ-ONLY COPY).

The authoritative reference and input builder live on the scoring server;
editing this copy changes nothing except your own understanding.
"""

import jax, jax.numpy as jnp
import numpy as np

N = 10000
E = 320000
D = 128
OUT = 128
K = 2


def setup_inputs(seed: int = 0) -> dict:
    key = jax.random.key(seed)
    k1, k2, k3, k4 = jax.random.split(key, 4)
    x = jax.random.normal(k1, (N, D), dtype=jnp.float32)
    edge_index = jax.random.randint(k2, (2, E), 0, N, dtype=jnp.int32)
    # Linear layer parameters (torch.nn.Linear(input_dim, output_dim))
    bound = 1.0 / np.sqrt(D)
    W = jax.random.uniform(k3, (OUT, D), minval=-bound, maxval=bound, dtype=jnp.float32)
    b = jax.random.uniform(k4, (OUT,), minval=-bound, maxval=bound, dtype=jnp.float32)
    return {"x": x, "edge_index": edge_index, "W": W, "b": b}


def reference(x, edge_index, W, b):
    n = x.shape[0]
    # add_self_loops
    loops = jnp.arange(n, dtype=edge_index.dtype)
    ei = jnp.concatenate([edge_index, jnp.stack([loops, loops], axis=0)], axis=1)
    row, col = ei[0], ei[1]
    # degree(row, n)
    deg = jax.ops.segment_sum(jnp.ones_like(row, dtype=x.dtype), row, num_segments=n)
    # deg^{-1/2} with inf -> 0
    deg_inv_sqrt = jnp.where(deg > 0, jax.lax.rsqrt(jnp.where(deg > 0, deg, 1.0)), 0.0)
    norm = deg_inv_sqrt[row] * deg_inv_sqrt[col]
    # K-step propagation: out[i] = sum_{(i,j) in E} norm_ij * x[j]
    h = x
    for _ in range(K):
        h = jax.ops.segment_sum(norm[:, None] * h[col], row, num_segments=n)
    out = h @ W.T + b
    return jax.nn.log_softmax(out, axis=1)

if __name__ == "__main__":
    import jax
    _d = setup_inputs()
    print(jax.jit(kernel)(*tuple(_d.values())))

</pallas_src>

<mosaic_0001>
#map = affine_map<(d0, d1) -> (0, 0)>
#map1 = affine_map<(d0, d1) -> (0, 0, 0)>
module attributes {stable_mosaic.version = 14 : i64} {
  func.func @_hop_body(%arg0: i32, %arg1: i32, %arg2: memref<10000x128xf32, #tpu.memory_space<hbm>>, %arg3: memref<32x80x128xi32, #tpu.memory_space<hbm>>, %arg4: memref<32x80x128xi32, #tpu.memory_space<hbm>>, %arg5: memref<128x128xf32, #tpu.memory_space<hbm>>, %arg6: memref<2x10240x128xf32, #tpu.memory_space<hbm>>, %arg7: memref<80x128xi32, #tpu.memory_space<vmem>>, %arg8: memref<128xi32, #tpu.memory_space<vmem>>, %arg9: memref<128xi32, #tpu.memory_space<vmem>>, %arg10: memref<128x128xf32, #tpu.memory_space<vmem>>, %arg11: memref<128x128xf32, #tpu.memory_space<vmem>>, %arg12: memref<10240x128xf32, #tpu.memory_space<vmem_shared>>, %arg13: memref<!tpu.dma_semaphore, #tpu.memory_space<semaphore_mem>>, %arg14: memref<!tpu.dma_semaphore, #tpu.memory_space<semaphore_mem>>, %arg15: memref<!tpu.dma_semaphore, #tpu.memory_space<semaphore_mem>>, %arg16: memref<!tpu.dma_semaphore, #tpu.memory_space<semaphore_mem>>) attributes {dimension_semantics = [#tpu.dimension_semantics<core_parallel>, #tpu.dimension_semantics<subcore_parallel>], iteration_bounds = array<i64: 2, 16>, scalar_prefetch = 0 : i64, scratch_operands = 10 : i64, tpu.core_type = #tpu.core_type<sc_vector_subcore>, window_params = [{transform_indices = #map}, {transform_indices = #map1}, {transform_indices = #map1}, {transform_indices = #map}, {transform_indices = #map1}]} {
    %mul3A = arith.constant 16 : i32
    %mul3A_0 = arith.muli %arg0, %mul3A : i32
    %add3A = arith.addi %mul3A_0, %arg1 : i32
    "tpu.region"() ({
      %run_scoped3A = tpu.sem_alloc : memref<!tpu.dma_semaphore, #tpu.memory_space<semaphore_mem>>
      tpu.enqueue_dma source(%arg5 : memref<128x128xf32, #tpu.memory_space<hbm>>) target(%arg10 : memref<128x128xf32, #tpu.memory_space<vmem>>) target_semaphore(%run_scoped3A : memref<!tpu.dma_semaphore, #tpu.memory_space<semaphore_mem>>)
      tpu.wait_dma2 semaphore(%run_scoped3A : memref<!tpu.dma_semaphore, #tpu.memory_space<semaphore_mem>>) src(%arg5 : memref<128x128xf32, #tpu.memory_space<hbm>>) dst(%arg10 : memref<128x128xf32, #tpu.memory_space<vmem>>)
      tpu.yield
    }) : () -> ()
    %mul3A_1 = arith.constant 640 : i32
    %mul3A_2 = arith.muli %arg1, %mul3A_1 : i32
    %add3A_3 = arith.constant 0 : i32
    %add3A_4 = arith.addi %mul3A_2, %add3A_3 : i32
    "tpu.region"() ({
      %run_scoped3A = tpu.sem_alloc : memref<!tpu.dma_semaphore, #tpu.memory_space<semaphore_mem>>
      %dma_start3A_58 = arith.constant 0 : i32
      %dma_start3A_59 = tpu.memref_slice %arg12[%add3A_4, %dma_start3A_58] : memref<10240x128xf32, #tpu.memory_space<vmem_shared>> -> memref<128x128xf32, #tpu.memory_space<vmem_shared>>
      %dma_start3A_60 = arith.constant 0 : i32
      %dma_start3A_61 = tpu.memref_slice %arg12[%add3A_4, %dma_start3A_60] : memref<10240x128xf32, #tpu.memory_space<vmem_shared>> -> memref<128x128xf32, #tpu.memory_space<vmem_shared>>
      tpu.enqueue_dma source(%arg10 : memref<128x128xf32, #tpu.memory_space<vmem>>) target(%dma_start3A_61 : memref<128x128xf32, #tpu.memory_space<vmem_shared>>) target_semaphore(%run_scoped3A : memref<!tpu.dma_semaphore, #tpu.memory_space<semaphore_mem>>)
      %dma_wait3A = arith.constant 0 : i32
      %dma_wait3A_62 = tpu.memref_slice %arg12[%add3A_4, %dma_wait3A] : memref<10240x128xf32, #tpu.memory_space<vmem_shared>> -> memref<128x128xf32, #tpu.memory_space<vmem_shared>>
      %dma_wait3A_63 = arith.constant 0 : i32
      %dma_wait3A_64 = tpu.memref_slice %arg12[%add3A_4, %dma_wait3A_63] : memref<10240x128xf32, #tpu.memory_space<vmem_shared>> -> memref<128x128xf32, #tpu.memory_space<vmem_shared>>
      tpu.wait_dma2 semaphore(%run_scoped3A : memref<!tpu.dma_semaphore, #tpu.memory_space<semaphore_mem>>) src(%arg10 : memref<128x128xf32, #tpu.memory_space<vmem>>) dst(%dma_wait3A_64 : memref<128x128xf32, #tpu.memory_space<vmem_shared>>)
      tpu.yield
    }) : () -> ()
    %mul3A_5 = arith.constant 640 : i32
    %mul3A_6 = arith.muli %arg1, %mul3A_5 : i32
    %add3A_7 = arith.constant 128 : i32
    %add3A_8 = arith.addi %mul3A_6, %add3A_7 : i32
    "tpu.region"() ({
      %run_scoped3A = tpu.sem_alloc : memref<!tpu.dma_semaphore, #tpu.memory_space<semaphore_mem>>
      %dma_start3A_58 = arith.constant 0 : i32
      %dma_start3A_59 = tpu.memref_slice %arg12[%add3A_8, %dma_start3A_58] : memref<10240x128xf32, #tpu.memory_space<vmem_shared>> -> memref<128x128xf32, #tpu.memory_space<vmem_shared>>
      %dma_start3A_60 = arith.constant 0 : i32
      %dma_start3A_61 = tpu.memref_slice %arg12[%add3A_8, %dma_start3A_60] : memref<10240x128xf32, #tpu.memory_space<vmem_shared>> -> memref<128x128xf32, #tpu.memory_space<vmem_shared>>
      tpu.enqueue_dma source(%arg10 : memref<128x128xf32, #tpu.memory_space<vmem>>) target(%dma_start3A_61 : memref<128x128xf32, #tpu.memory_space<vmem_shared>>) target_semaphore(%run_scoped3A : memref<!tpu.dma_semaphore, #tpu.memory_space<semaphore_mem>>)
      %dma_wait3A = arith.constant 0 : i32
      %dma_wait3A_62 = tpu.memref_slice %arg12[%add3A_8, %dma_wait3A] : memref<10240x128xf32, #tpu.memory_space<vmem_shared>> -> memref<128x128xf32, #tpu.memory_space<vmem_shared>>
      %dma_wait3A_63 = arith.constant 0 : i32
      %dma_wait3A_64 = tpu.memref_slice %arg12[%add3A_8, %dma_wait3A_63] : memref<10240x128xf32, #tpu.memory_space<vmem_shared>> -> memref<128x128xf32, #tpu.memory_space<vmem_shared>>
      tpu.wait_dma2 semaphore(%run_scoped3A : memref<!tpu.dma_semaphore, #tpu.memory_space<semaphore_mem>>) src(%arg10 : memref<128x128xf32, #tpu.memory_space<vmem>>) dst(%dma_wait3A_64 : memref<128x128xf32, #tpu.memory_space<vmem_shared>>)
      tpu.yield
    }) : () -> ()
    %mul3A_9 = arith.constant 640 : i32
    %mul3A_10 = arith.muli %arg1, %mul3A_9 : i32
    %add3A_11 = arith.constant 256 : i32
    %add3A_12 = arith.addi %mul3A_10, %add3A_11 : i32
    "tpu.region"() ({
      %run_scoped3A = tpu.sem_alloc : memref<!tpu.dma_semaphore, #tpu.memory_space<semaphore_mem>>
      %dma_start3A_58 = arith.constant 0 : i32
      %dma_start3A_59 = tpu.memref_slice %arg12[%add3A_12, %dma_start3A_58] : memref<10240x128xf32, #tpu.memory_space<vmem_shared>> -> memref<128x128xf32, #tpu.memory_space<vmem_shared>>
      %dma_start3A_60 = arith.constant 0 : i32
      %dma_start3A_61 = tpu.memref_slice %arg12[%add3A_12, %dma_start3A_60] : memref<10240x128xf32, #tpu.memory_space<vmem_shared>> -> memref<128x128xf32, #tpu.memory_space<vmem_shared>>
      tpu.enqueue_dma source(%arg10 : memref<128x128xf32, #tpu.memory_space<vmem>>) target(%dma_start3A_61 : memref<128x128xf32, #tpu.memory_space<vmem_shared>>) target_semaphore(%run_scoped3A : memref<!tpu.dma_semaphore, #tpu.memory_space<semaphore_mem>>)
      %dma_wait3A = arith.constant 0 : i32
      %dma_wait3A_62 = tpu.memref_slice %arg12[%add3A_12, %dma_wait3A] : memref<10240x128xf32, #tpu.memory_space<vmem_shared>> -> memref<128x128xf32, #tpu.memory_space<vmem_shared>>
      %dma_wait3A_63 = arith.constant 0 : i32
      %dma_wait3A_64 = tpu.memref_slice %arg12[%add3A_12, %dma_wait3A_63] : memref<10240x128xf32, #tpu.memory_space<vmem_shared>> -> memref<128x128xf32, #tpu.memory_space<vmem_shared>>
      tpu.wait_dma2 semaphore(%run_scoped3A : memref<!tpu.dma_semaphore, #tpu.memory_space<semaphore_mem>>) src(%arg10 : memref<128x128xf32, #tpu.memory_space<vmem>>) dst(%dma_wait3A_64 : memref<128x128xf32, #tpu.memory_space<vmem_shared>>)
      tpu.yield
    }) : () -> ()
    %mul3A_13 = arith.constant 640 : i32
    %mul3A_14 = arith.muli %arg1, %mul3A_13 : i32
    %add3A_15 = arith.constant 384 : i32
    %add3A_16 = arith.addi %mul3A_14, %add3A_15 : i32
    "tpu.region"() ({
      %run_scoped3A = tpu.sem_alloc : memref<!tpu.dma_semaphore, #tpu.memory_space<semaphore_mem>>
      %dma_start3A_58 = arith.constant 0 : i32
      %dma_start3A_59 = tpu.memref_slice %arg12[%add3A_16, %dma_start3A_58] : memref<10240x128xf32, #tpu.memory_space<vmem_shared>> -> memref<128x128xf32, #tpu.memory_space<vmem_shared>>
      %dma_start3A_60 = arith.constant 0 : i32
      %dma_start3A_61 = tpu.memref_slice %arg12[%add3A_16, %dma_start3A_60] : memref<10240x128xf32, #tpu.memory_space<vmem_shared>> -> memref<128x128xf32, #tpu.memory_space<vmem_shared>>
      tpu.enqueue_dma source(%arg10 : memref<128x128xf32, #tpu.memory_space<vmem>>) target(%dma_start3A_61 : memref<128x128xf32, #tpu.memory_space<vmem_shared>>) target_semaphore(%run_scoped3A : memref<!tpu.dma_semaphore, #tpu.memory_space<semaphore_mem>>)
      %dma_wait3A = arith.constant 0 : i32
      %dma_wait3A_62 = tpu.memref_slice %arg12[%add3A_16, %dma_wait3A] : memref<10240x128xf32, #tpu.memory_space<vmem_shared>> -> memref<128x128xf32, #tpu.memory_space<vmem_shared>>
      %dma_wait3A_63 = arith.constant 0 : i32
      %dma_wait3A_64 = tpu.memref_slice %arg12[%add3A_16, %dma_wait3A_63] : memref<10240x128xf32, #tpu.memory_space<vmem_shared>> -> memref<128x128xf32, #tpu.memory_space<vmem_shared>>
      tpu.wait_dma2 semaphore(%run_scoped3A : memref<!tpu.dma_semaphore, #tpu.memory_space<semaphore_mem>>) src(%arg10 : memref<128x128xf32, #tpu.memory_space<vmem>>) dst(%dma_wait3A_64 : memref<128x128xf32, #tpu.memory_space<vmem_shared>>)
      tpu.yield
    }) : () -> ()
    %mul3A_17 = arith.constant 640 : i32
    %mul3A_18 = arith.muli %arg1, %mul3A_17 : i32
    %add3A_19 = arith.constant 512 : i32
    %add3A_20 = arith.addi %mul3A_18, %add3A_19 : i32
    "tpu.region"() ({
      %run_scoped3A = tpu.sem_alloc : memref<!tpu.dma_semaphore, #tpu.memory_space<semaphore_mem>>
      %dma_start3A_58 = arith.constant 0 : i32
      %dma_start3A_59 = tpu.memref_slice %arg12[%add3A_20, %dma_start3A_58] : memref<10240x128xf32, #tpu.memory_space<vmem_shared>> -> memref<128x128xf32, #tpu.memory_space<vmem_shared>>
      %dma_start3A_60 = arith.constant 0 : i32
      %dma_start3A_61 = tpu.memref_slice %arg12[%add3A_20, %dma_start3A_60] : memref<10240x128xf32, #tpu.memory_space<vmem_shared>> -> memref<128x128xf32, #tpu.memory_space<vmem_shared>>
      tpu.enqueue_dma source(%arg10 : memref<128x128xf32, #tpu.memory_space<vmem>>) target(%dma_start3A_61 : memref<128x128xf32, #tpu.memory_space<vmem_shared>>) target_semaphore(%run_scoped3A : memref<!tpu.dma_semaphore, #tpu.memory_space<semaphore_mem>>)
      %dma_wait3A = arith.constant 0 : i32
      %dma_wait3A_62 = tpu.memref_slice %arg12[%add3A_20, %dma_wait3A] : memref<10240x128xf32, #tpu.memory_space<vmem_shared>> -> memref<128x128xf32, #tpu.memory_space<vmem_shared>>
      %dma_wait3A_63 = arith.constant 0 : i32
      %dma_wait3A_64 = tpu.memref_slice %arg12[%add3A_20, %dma_wait3A_63] : memref<10240x128xf32, #tpu.memory_space<vmem_shared>> -> memref<128x128xf32, #tpu.memory_space<vmem_shared>>
      tpu.wait_dma2 semaphore(%run_scoped3A : memref<!tpu.dma_semaphore, #tpu.memory_space<semaphore_mem>>) src(%arg10 : memref<128x128xf32, #tpu.memory_space<vmem>>) dst(%dma_wait3A_64 : memref<128x128xf32, #tpu.memory_space<vmem_shared>>)
      tpu.yield
    }) : () -> ()
    "tpu.region"() ({
      %run_scoped3A = tpu.sem_alloc : memref<!tpu.dma_semaphore, #tpu.memory_space<semaphore_mem>>
      %dma_start3A_58 = arith.constant 0 : i32
      %dma_start3A_59 = arith.constant 0 : i32
      %dma_start3A_60 = tpu.memref_slice %arg4[%add3A, %dma_start3A_58, %dma_start3A_59] : memref<32x80x128xi32, #tpu.memory_space<hbm>> -> memref<1x80x128xi32, #tpu.memory_space<hbm>>
      %dma_start3A_61 = tpu.memref_squeeze %dma_start3A_60 : memref<1x80x128xi32, #tpu.memory_space<hbm>> -> memref<80x128xi32, #tpu.memory_space<hbm>>
      %dma_start3A_62 = arith.constant 0 : i32
      %dma_start3A_63 = arith.constant 0 : i32
      %dma_start3A_64 = tpu.memref_slice %arg4[%add3A, %dma_start3A_62, %dma_start3A_63] : memref<32x80x128xi32, #tpu.memory_space<hbm>> -> memref<1x80x128xi32, #tpu.memory_space<hbm>>
      %dma_start3A_65 = tpu.memref_squeeze %dma_start3A_64 : memref<1x80x128xi32, #tpu.memory_space<hbm>> -> memref<80x128xi32, #tpu.memory_space<hbm>>
      tpu.enqueue_dma source(%dma_start3A_65 : memref<80x128xi32, #tpu.memory_space<hbm>>) target(%arg7 : memref<80x128xi32, #tpu.memory_space<vmem>>) target_semaphore(%run_scoped3A : memref<!tpu.dma_semaphore, #tpu.memory_space<semaphore_mem>>)
      %dma_wait3A = arith.constant 0 : i32
      %dma_wait3A_66 = arith.constant 0 : i32
      %dma_wait3A_67 = tpu.memref_slice %arg4[%add3A, %dma_wait3A, %dma_wait3A_66] : memref<32x80x128xi32, #tpu.memory_space<hbm>> -> memref<1x80x128xi32, #tpu.memory_space<hbm>>
      %dma_wait3A_68 = tpu.memref_squeeze %dma_wait3A_67 : memref<1x80x128xi32, #tpu.memory_space<hbm>> -> memref<80x128xi32, #tpu.memory_space<hbm>>
      %dma_wait3A_69 = arith.constant 0 : i32
      %dma_wait3A_70 = arith.constant 0 : i32
      %dma_wait3A_71 = tpu.memref_slice %arg4[%add3A, %dma_wait3A_69, %dma_wait3A_70] : memref<32x80x128xi32, #tpu.memory_space<hbm>> -> memref<1x80x128xi32, #tpu.memory_space<hbm>>
      %dma_wait3A_72 = tpu.memref_squeeze %dma_wait3A_71 : memref<1x80x128xi32, #tpu.memory_space<hbm>> -> memref<80x128xi32, #tpu.memory_space<hbm>>
      tpu.wait_dma2 semaphore(%run_scoped3A : memref<!tpu.dma_semaphore, #tpu.memory_space<semaphore_mem>>) src(%dma_wait3A_72 : memref<80x128xi32, #tpu.memory_space<hbm>>) dst(%arg7 : memref<80x128xi32, #tpu.memory_space<vmem>>)
      tpu.yield
    }) : () -> ()
    %barrier3A = arith.constant 0 : index
    tpu.barrier barrier_id(%barrier3A)
    %dma_start3A = arith.constant 0 : i32
    %dma_start3A_21 = arith.constant 0 : i32
    %dma_start3A_22 = tpu.memref_slice %arg7[%dma_start3A, %dma_start3A_21] : memref<80x128xi32, #tpu.memory_space<vmem>> -> memref<1x128xi32, #tpu.memory_space<vmem>>
    %dma_start3A_23 = tpu.memref_squeeze %dma_start3A_22 : memref<1x128xi32, #tpu.memory_space<vmem>> -> memref<128xi32, #tpu.memory_space<vmem>>
    %dma_start3A_24 = arith.constant 0 : i32
    %dma_start3A_25 = arith.constant 0 : i32
    %dma_start3A_26 = tpu.memref_slice %arg2[%dma_start3A_24, %dma_start3A_25] : memref<10000x128xf32, #tpu.memory_space<hbm>> -> memref<10000x128xf32, #tpu.memory_space<hbm>>
    tpu.enqueue_indirect_dma source(%dma_start3A_26 : memref<10000x128xf32, #tpu.memory_space<hbm>>) target(%arg10 : memref<128x128xf32, #tpu.memory_space<vmem>>) offsets(%dma_start3A_23 : memref<128xi32, #tpu.memory_space<vmem>>) semaphore(%arg13 : memref<!tpu.dma_semaphore, #tpu.memory_space<semaphore_mem>>)
    %dma_start3A_27 = arith.constant 1 : i32
    %dma_start3A_28 = arith.constant 0 : i32
    %dma_start3A_29 = tpu.memref_slice %arg7[%dma_start3A_27, %dma_start3A_28] : memref<80x128xi32, #tpu.memory_space<vmem>> -> memref<1x128xi32, #tpu.memory_space<vmem>>
    %dma_start3A_30 = tpu.memref_squeeze %dma_start3A_29 : memref<1x128xi32, #tpu.memory_space<vmem>> -> memref<128xi32, #tpu.memory_space<vmem>>
    %dma_start3A_31 = arith.constant 0 : i32
    %dma_start3A_32 = arith.constant 0 : i32
    %dma_start3A_33 = tpu.memref_slice %arg2[%dma_start3A_31, %dma_start3A_32] : memref<10000x128xf32, #tpu.memory_space<hbm>> -> memref<10000x128xf32, #tpu.memory_space<hbm>>
    tpu.enqueue_indirect_dma source(%dma_start3A_33 : memref<10000x128xf32, #tpu.memory_space<hbm>>) target(%arg11 : memref<128x128xf32, #tpu.memory_space<vmem>>) offsets(%dma_start3A_30 : memref<128xi32, #tpu.memory_space<vmem>>) semaphore(%arg14 : memref<!tpu.dma_semaphore, #tpu.memory_space<semaphore_mem>>)
    %dma_start3A_34 = arith.constant 0 : i32
    %dma_start3A_35 = arith.constant 0 : i32
    %dma_start3A_36 = tpu.memref_slice %arg3[%add3A, %dma_start3A_34, %dma_start3A_35] : memref<32x80x128xi32, #tpu.memory_space<hbm>> -> memref<1x1x128xi32, #tpu.memory_space<hbm>>
    %dma_start3A_37 = tpu.memref_squeeze %dma_start3A_36 : memref<1x1x128xi32, #tpu.memory_space<hbm>> -> memref<128xi32, #tpu.memory_space<hbm>>
    %dma_start3A_38 = arith.constant 0 : i32
    %dma_start3A_39 = tpu.memref_slice %arg3[%add3A, %dma_start3A_34, %dma_start3A_38] : memref<32x80x128xi32, #tpu.memory_space<hbm>> -> memref<1x1x128xi32, #tpu.memory_space<hbm>>
    %dma_start3A_40 = tpu.memref_squeeze %dma_start3A_39 : memref<1x1x128xi32, #tpu.memory_space<hbm>> -> memref<128xi32, #tpu.memory_space<hbm>>
    tpu.enqueue_dma source(%dma_start3A_40 : memref<128xi32, #tpu.memory_space<hbm>>) target(%arg8 : memref<128xi32, #tpu.memory_space<vmem>>) target_semaphore(%arg15 : memref<!tpu.dma_semaphore, #tpu.memory_space<semaphore_mem>>)
    %dma_start3A_41 = arith.constant 1 : i32
    %dma_start3A_42 = arith.constant 0 : i32
    %dma_start3A_43 = tpu.memref_slice %arg3[%add3A, %dma_start3A_41, %dma_start3A_42] : memref<32x80x128xi32, #tpu.memory_space<hbm>> -> memref<1x1x128xi32, #tpu.memory_space<hbm>>
    %dma_start3A_44 = tpu.memref_squeeze %dma_start3A_43 : memref<1x1x128xi32, #tpu.memory_space<hbm>> -> memref<128xi32, #tpu.memory_space<hbm>>
    %dma_start3A_45 = arith.constant 0 : i32
    %dma_start3A_46 = tpu.memref_slice %arg3[%add3A, %dma_start3A_41, %dma_start3A_45] : memref<32x80x128xi32, #tpu.memory_space<hbm>> -> memref<1x1x128xi32, #tpu.memory_space<hbm>>
    %dma_start3A_47 = tpu.memref_squeeze %dma_start3A_46 : memref<1x1x128xi32, #tpu.memory_space<hbm>> -> memref<128xi32, #tpu.memory_space<hbm>>
    tpu.enqueue_dma source(%dma_start3A_47 : memref<128xi32, #tpu.memory_space<hbm>>) target(%arg9 : memref<128xi32, #tpu.memory_space<vmem>>) target_semaphore(%arg16 : memref<!tpu.dma_semaphore, #tpu.memory_space<semaphore_mem>>)
    %scan3A = arith.constant 0 : i32
    %scan3A_48 = arith.constant 0 : i32
    %scan3A_49 = arith.constant 40 : i32
    %scan3A_50 = arith.addi %scan3A_48, %scan3A_49 : i32
    %scan3A_51 = arith.constant 1 : i32
    scf.for %scan3A_58 = %scan3A_48 to %scan3A_50 step %scan3A_51  : i32 {
      %mul3A_59 = arith.constant 2 : i32
      %mul3A_60 = arith.muli %scan3A_58, %mul3A_59 : i32
      %dma_wait3A = arith.constant 0 : i32
      %dma_wait3A_61 = tpu.memref_slice %arg7[%mul3A_60, %dma_wait3A] : memref<80x128xi32, #tpu.memory_space<vmem>> -> memref<1x128xi32, #tpu.memory_space<vmem>>
      %dma_wait3A_62 = tpu.memref_squeeze %dma_wait3A_61 : memref<1x128xi32, #tpu.memory_space<vmem>> -> memref<128xi32, #tpu.memory_space<vmem>>
      %dma_wait3A_63 = arith.constant 0 : i32
      %dma_wait3A_64 = arith.constant 0 : i32
      %dma_wait3A_65 = tpu.memref_slice %arg2[%dma_wait3A_63, %dma_wait3A_64] : memref<10000x128xf32, #tpu.memory_space<hbm>> -> memref<10000x128xf32, #tpu.memory_space<hbm>>
      tpu.wait_indirect_dma semaphore(%arg13 : memref<!tpu.dma_semaphore, #tpu.memory_space<semaphore_mem>>) src(%dma_wait3A_65 : memref<10000x128xf32, #tpu.memory_space<hbm>>) dst(%arg10 : memref<128x128xf32, #tpu.memory_space<vmem>>)
      %dma_wait3A_66 = arith.constant 0 : i32
      %dma_wait3A_67 = tpu.memref_slice %arg3[%add3A, %mul3A_60, %dma_wait3A_66] : memref<32x80x128xi32, #tpu.memory_space<hbm>> -> memref<1x1x128xi32, #tpu.memory_space<hbm>>
      %dma_wait3A_68 = tpu.memref_squeeze %dma_wait3A_67 : memref<1x1x128xi32, #tpu.memory_space<hbm>> -> memref<128xi32, #tpu.memory_space<hbm>>
      %dma_wait3A_69 = arith.constant 0 : i32
      %dma_wait3A_70 = tpu.memref_slice %arg3[%add3A, %mul3A_60, %dma_wait3A_69] : memref<32x80x128xi32, #tpu.memory_space<hbm>> -> memref<1x1x128xi32, #tpu.memory_space<hbm>>
      %dma_wait3A_71 = tpu.memref_squeeze %dma_wait3A_70 : memref<1x1x128xi32, #tpu.memory_space<hbm>> -> memref<128xi32, #tpu.memory_space<hbm>>
      tpu.wait_dma2 semaphore(%arg15 : memref<!tpu.dma_semaphore, #tpu.memory_space<semaphore_mem>>) src(%dma_wait3A_71 : memref<128xi32, #tpu.memory_space<hbm>>) dst(%arg8 : memref<128xi32, #tpu.memory_space<vmem>>)
      "tpu.region"() ({
        %run_scoped3A = tpu.sem_alloc : memref<!tpu.dma_semaphore, #tpu.memory_space<semaphore_mem>>
        %dma_start3A_99 = arith.constant 0 : i32
        %dma_start3A_100 = arith.constant 0 : i32
        %dma_start3A_101 = tpu.memref_slice %arg12[%dma_start3A_99, %dma_start3A_100] : memref<10240x128xf32, #tpu.memory_space<vmem_shared>> -> memref<10240x128xf32, #tpu.memory_space<vmem_shared>>
        tpu.enqueue_indirect_dma source(%arg10 : memref<128x128xf32, #tpu.memory_space<vmem>>) target(%dma_start3A_101 : memref<10240x128xf32, #tpu.memory_space<vmem_shared>>) offsets(%arg8 : memref<128xi32, #tpu.memory_space<vmem>>) semaphore(%run_scoped3A : memref<!tpu.dma_semaphore, #tpu.memory_space<semaphore_mem>>) {add = true}
        %dma_wait3A_102 = arith.constant 0 : i32
        %dma_wait3A_103 = arith.constant 0 : i32
        %dma_wait3A_104 = tpu.memref_slice %arg12[%dma_wait3A_102, %dma_wait3A_103] : memref<10240x128xf32, #tpu.memory_space<vmem_shared>> -> memref<10240x128xf32, #tpu.memory_space<vmem_shared>>
        tpu.wait_indirect_dma semaphore(%run_scoped3A : memref<!tpu.dma_semaphore, #tpu.memory_space<semaphore_mem>>) src(%arg10 : memref<128x128xf32, #tpu.memory_space<vmem>>) dst(%dma_wait3A_104 : memref<10240x128xf32, #tpu.memory_space<vmem_shared>>)
        tpu.yield
      }) : () -> ()
      %add3A_72 = arith.constant 2 : i32
      %add3A_73 = arith.addi %mul3A_60, %add3A_72 : i32
      %lt3A = arith.constant 80 : i32
      %lt3A_74 = arith.cmpi slt, %add3A_73, %lt3A : i32
      %convert_element_type3A = arith.extui %lt3A_74 : i1 to i32
      %cond3A = arith.constant 0 : i32
      %cond3A_75 = arith.cmpi ne, %convert_element_type3A, %cond3A : i32
      scf.if %cond3A_75 {
        %add3A_99 = arith.constant 2 : i32
        %add3A_100 = arith.addi %mul3A_60, %add3A_99 : i32
        %dma_start3A_101 = arith.constant 0 : i32
        %dma_start3A_102 = tpu.memref_slice %arg7[%add3A_100, %dma_start3A_101] : memref<80x128xi32, #tpu.memory_space<vmem>> -> memref<1x128xi32, #tpu.memory_space<vmem>>
        %dma_start3A_103 = tpu.memref_squeeze %dma_start3A_102 : memref<1x128xi32, #tpu.memory_space<vmem>> -> memref<128xi32, #tpu.memory_space<vmem>>
        %dma_start3A_104 = arith.constant 0 : i32
        %dma_start3A_105 = arith.constant 0 : i32
        %dma_start3A_106 = tpu.memref_slice %arg2[%dma_start3A_104, %dma_start3A_105] : memref<10000x128xf32, #tpu.memory_space<hbm>> -> memref<10000x128xf32, #tpu.memory_space<hbm>>
        tpu.enqueue_indirect_dma source(%dma_start3A_106 : memref<10000x128xf32, #tpu.memory_space<hbm>>) target(%arg10 : memref<128x128xf32, #tpu.memory_space<vmem>>) offsets(%dma_start3A_103 : memref<128xi32, #tpu.memory_space<vmem>>) semaphore(%arg13 : memref<!tpu.dma_semaphore, #tpu.memory_space<semaphore_mem>>)
        %add3A_107 = arith.constant 2 : i32
        %add3A_108 = arith.addi %mul3A_60, %add3A_107 : i32
        %dma_start3A_109 = arith.constant 0 : i32
        %dma_start3A_110 = tpu.memref_slice %arg3[%add3A, %add3A_108, %dma_start3A_109] : memref<32x80x128xi32, #tpu.memory_space<hbm>> -> memref<1x1x128xi32, #tpu.memory_space<hbm>>
        %dma_start3A_111 = tpu.memref_squeeze %dma_start3A_110 : memref<1x1x128xi32, #tpu.memory_space<hbm>> -> memref<128xi32, #tpu.memory_space<hbm>>
        %dma_start3A_112 = arith.constant 0 : i32
        %dma_start3A_113 = tpu.memref_slice %arg3[%add3A, %add3A_108, %dma_start3A_112] : memref<32x80x128xi32, #tpu.memory_space<hbm>> -> memref<1x1x128xi32, #tpu.memory_space<hbm>>
        %dma_start3A_114 = tpu.memref_squeeze %dma_start3A_113 : memref<1x1x128xi32, #tpu.memory_space<hbm>> -> memref<128xi32, #tpu.memory_space<hbm>>
        tpu.enqueue_dma source(%dma_start3A_114 : memref<128xi32, #tpu.memory_space<hbm>>) target(%arg8 : memref<128xi32, #tpu.memory_space<vmem>>) target_semaphore(%arg15 : memref<!tpu.dma_semaphore, #tpu.memory_space<semaphore_mem>>)
      } else {
      }
      %add3A_76 = arith.constant 1 : i32
      %add3A_77 = arith.addi %mul3A_60, %add3A_76 : i32
      %dma_wait3A_78 = arith.constant 0 : i32
      %dma_wait3A_79 = tpu.memref_slice %arg7[%add3A_77, %dma_wait3A_78] : memref<80x128xi32, #tpu.memory_space<vmem>> -> memref<1x128xi32, #tpu.memory_space<vmem>>
      %dma_wait3A_80 = tpu.memref_squeeze %dma_wait3A_79 : memref<1x128xi32, #tpu.memory_space<vmem>> -> memref<128xi32, #tpu.memory_space<vmem>>
      %dma_wait3A_81 = arith.constant 0 : i32
      %dma_wait3A_82 = arith.constant 0 : i32
      %dma_wait3A_83 = tpu.memref_slice %arg2[%dma_wait3A_81, %dma_wait3A_82] : memref<10000x128xf32, #tpu.memory_space<hbm>> -> memref<10000x128xf32, #tpu.memory_space<hbm>>
      tpu.wait_indirect_dma semaphore(%arg14 : memref<!tpu.dma_semaphore, #tpu.memory_space<semaphore_mem>>) src(%dma_wait3A_83 : memref<10000x128xf32, #tpu.memory_space<hbm>>) dst(%arg11 : memref<128x128xf32, #tpu.memory_space<vmem>>)
      %add3A_84 = arith.constant 1 : i32
      %add3A_85 = arith.addi %mul3A_60, %add3A_84 : i32
      %dma_wait3A_86 = arith.constant 0 : i32
      %dma_wait3A_87 = tpu.memref_slice %arg3[%add3A, %add3A_85, %dma_wait3A_86] : memref<32x80x128xi32, #tpu.memory_space<hbm>> -> memref<1x1x128xi32, #tpu.memory_space<hbm>>
      %dma_wait3A_88 = tpu.memref_squeeze %dma_wait3A_87 : memref<1x1x128xi32, #tpu.memory_space<hbm>> -> memref<128xi32, #tpu.memory_space<hbm>>
      %dma_wait3A_89 = arith.constant 0 : i32
      %dma_wait3A_90 = tpu.memref_slice %arg3[%add3A, %add3A_85, %dma_wait3A_89] : memref<32x80x128xi32, #tpu.memory_space<hbm>> -> memref<1x1x128xi32, #tpu.memory_space<hbm>>
      %dma_wait3A_91 = tpu.memref_squeeze %dma_wait3A_90 : memref<1x1x128xi32, #tpu.memory_space<hbm>> -> memref<128xi32, #tpu.memory_space<hbm>>
      tpu.wait_dma2 semaphore(%arg16 : memref<!tpu.dma_semaphore, #tpu.memory_space<semaphore_mem>>) src(%dma_wait3A_91 : memref<128xi32, #tpu.memory_space<hbm>>) dst(%arg9 : memref<128xi32, #tpu.memory_space<vmem>>)
      "tpu.region"() ({
        %run_scoped3A = tpu.sem_alloc : memref<!tpu.dma_semaphore, #tpu.memory_space<semaphore_mem>>
        %dma_start3A_99 = arith.constant 0 : i32
        %dma_start3A_100 = arith.constant 0 : i32
        %dma_start3A_101 = tpu.memref_slice %arg12[%dma_start3A_99, %dma_start3A_100] : memref<10240x128xf32, #tpu.memory_space<vmem_shared>> -> memref<10240x128xf32, #tpu.memory_space<vmem_shared>>
        tpu.enqueue_indirect_dma source(%arg11 : memref<128x128xf32, #tpu.memory_space<vmem>>) target(%dma_start3A_101 : memref<10240x128xf32, #tpu.memory_space<vmem_shared>>) offsets(%arg9 : memref<128xi32, #tpu.memory_space<vmem>>) semaphore(%run_scoped3A : memref<!tpu.dma_semaphore, #tpu.memory_space<semaphore_mem>>) {add = true}
        %dma_wait3A_102 = arith.constant 0 : i32
        %dma_wait3A_103 = arith.constant 0 : i32
        %dma_wait3A_104 = tpu.memref_slice %arg12[%dma_wait3A_102, %dma_wait3A_103] : memref<10240x128xf32, #tpu.memory_space<vmem_shared>> -> memref<10240x128xf32, #tpu.memory_space<vmem_shared>>
        tpu.wait_indirect_dma semaphore(%run_scoped3A : memref<!tpu.dma_semaphore, #tpu.memory_space<semaphore_mem>>) src(%arg11 : memref<128x128xf32, #tpu.memory_space<vmem>>) dst(%dma_wait3A_104 : memref<10240x128xf32, #tpu.memory_space<vmem_shared>>)
        tpu.yield
      }) : () -> ()
      %add3A_92 = arith.constant 3 : i32
      %add3A_93 = arith.addi %mul3A_60, %add3A_92 : i32
      %lt3A_94 = arith.constant 80 : i32
      %lt3A_95 = arith.cmpi slt, %add3A_93, %lt3A_94 : i32
      %convert_element_type3A_96 = arith.extui %lt3A_95 : i1 to i32
      %cond3A_97 = arith.constant 0 : i32
      %cond3A_98 = arith.cmpi ne, %convert_element_type3A_96, %cond3A_97 : i32
      scf.if %cond3A_98 {
        %add3A_99 = arith.constant 3 : i32
        %add3A_100 = arith.addi %mul3A_60, %add3A_99 : i32
        %dma_start3A_101 = arith.constant 0 : i32
        %dma_start3A_102 = tpu.memref_slice %arg7[%add3A_100, %dma_start3A_101] : memref<80x128xi32, #tpu.memory_space<vmem>> -> memref<1x128xi32, #tpu.memory_space<vmem>>
        %dma_start3A_103 = tpu.memref_squeeze %dma_start3A_102 : memref<1x128xi32, #tpu.memory_space<vmem>> -> memref<128xi32, #tpu.memory_space<vmem>>
        %dma_start3A_104 = arith.constant 0 : i32
        %dma_start3A_105 = arith.constant 0 : i32
        %dma_start3A_106 = tpu.memref_slice %arg2[%dma_start3A_104, %dma_start3A_105] : memref<10000x128xf32, #tpu.memory_space<hbm>> -> memref<10000x128xf32, #tpu.memory_space<hbm>>
        tpu.enqueue_indirect_dma source(%dma_start3A_106 : memref<10000x128xf32, #tpu.memory_space<hbm>>) target(%arg11 : memref<128x128xf32, #tpu.memory_space<vmem>>) offsets(%dma_start3A_103 : memref<128xi32, #tpu.memory_space<vmem>>) semaphore(%arg14 : memref<!tpu.dma_semaphore, #tpu.memory_space<semaphore_mem>>)
        %add3A_107 = arith.constant 3 : i32
        %add3A_108 = arith.addi %mul3A_60, %add3A_107 : i32
        %dma_start3A_109 = arith.constant 0 : i32
        %dma_start3A_110 = tpu.memref_slice %arg3[%add3A, %add3A_108, %dma_start3A_109] : memref<32x80x128xi32, #tpu.memory_space<hbm>> -> memref<1x1x128xi32, #tpu.memory_space<hbm>>
        %dma_start3A_111 = tpu.memref_squeeze %dma_start3A_110 : memref<1x1x128xi32, #tpu.memory_space<hbm>> -> memref<128xi32, #tpu.memory_space<hbm>>
        %dma_start3A_112 = arith.constant 0 : i32
        %dma_start3A_113 = tpu.memref_slice %arg3[%add3A, %add3A_108, %dma_start3A_112] : memref<32x80x128xi32, #tpu.memory_space<hbm>> -> memref<1x1x128xi32, #tpu.memory_space<hbm>>
        %dma_start3A_114 = tpu.memref_squeeze %dma_start3A_113 : memref<1x1x128xi32, #tpu.memory_space<hbm>> -> memref<128xi32, #tpu.memory_space<hbm>>
        tpu.enqueue_dma source(%dma_start3A_114 : memref<128xi32, #tpu.memory_space<hbm>>) target(%arg9 : memref<128xi32, #tpu.memory_space<vmem>>) target_semaphore(%arg16 : memref<!tpu.dma_semaphore, #tpu.memory_space<semaphore_mem>>)
      } else {
      }
    }
    %scan3A_52 = arith.constant 40 : i32
    %barrier3A_53 = arith.constant 0 : index
    tpu.barrier barrier_id(%barrier3A_53)
    %mul3A_54 = arith.constant 640 : i32
    %mul3A_55 = arith.muli %arg1, %mul3A_54 : i32
    %mul3A_56 = arith.constant 640 : i32
    %mul3A_57 = arith.muli %arg1, %mul3A_56 : i32
    "tpu.region"() ({
      %run_scoped3A = tpu.sem_alloc : memref<!tpu.dma_semaphore, #tpu.memory_space<semaphore_mem>>
      %dma_start3A_58 = arith.constant 0 : i32
      %dma_start3A_59 = tpu.memref_slice %arg6[%arg0, %mul3A_57, %dma_start3A_58] : memref<2x10240x128xf32, #tpu.memory_space<hbm>> -> memref<1x640x128xf32, #tpu.memory_space<hbm>>
      %dma_start3A_60 = tpu.memref_squeeze %dma_start3A_59 : memref<1x640x128xf32, #tpu.memory_space<hbm>> -> memref<640x128xf32, #tpu.memory_space<hbm>>
      %dma_start3A_61 = arith.constant 0 : i32
      %dma_start3A_62 = tpu.memref_slice %arg12[%mul3A_55, %dma_start3A_61] : memref<10240x128xf32, #tpu.memory_space<vmem_shared>> -> memref<640x128xf32, #tpu.memory_space<vmem_shared>>
      tpu.enqueue_dma source(%dma_start3A_62 : memref<640x128xf32, #tpu.memory_space<vmem_shared>>) target(%dma_start3A_60 : memref<640x128xf32, #tpu.memory_space<hbm>>) target_semaphore(%run_scoped3A : memref<!tpu.dma_semaphore, #tpu.memory_space<semaphore_mem>>)
      %dma_wait3A = arith.constant 0 : i32
      %dma_wait3A_63 = tpu.memref_slice %arg6[%arg0, %mul3A_57, %dma_wait3A] : memref<2x10240x128xf32, #tpu.memory_space<hbm>> -> memref<1x640x128xf32, #tpu.memory_space<hbm>>
      %dma_wait3A_64 = tpu.memref_squeeze %dma_wait3A_63 : memref<1x640x128xf32, #tpu.memory_space<hbm>> -> memref<640x128xf32, #tpu.memory_space<hbm>>
      %dma_wait3A_65 = arith.constant 0 : i32
      %dma_wait3A_66 = tpu.memref_slice %arg12[%mul3A_55, %dma_wait3A_65] : memref<10240x128xf32, #tpu.memory_space<vmem_shared>> -> memref<640x128xf32, #tpu.memory_space<vmem_shared>>
      tpu.wait_dma2 semaphore(%run_scoped3A : memref<!tpu.dma_semaphore, #tpu.memory_space<semaphore_mem>>) src(%dma_wait3A_66 : memref<640x128xf32, #tpu.memory_space<vmem_shared>>) dst(%dma_wait3A_64 : memref<640x128xf32, #tpu.memory_space<hbm>>)
      tpu.yield
    }) : () -> ()
    return
  }
}

#map = affine_map<(d0, d1) -> (0, 0, 0)>
#map1 = affine_map<(d0, d1) -> (0, 0)>
module attributes {stable_mosaic.version = 14 : i64} {
  func.func @_deg_body(%arg0: i32, %arg1: i32, %arg2: memref<32x80x128xi32, #tpu.memory_space<hbm>>, %arg3: memref<128x128xf32, #tpu.memory_space<hbm>>, %arg4: memref<128x128xf32, #tpu.memory_space<hbm>>, %arg5: memref<2x10240x128xf32, #tpu.memory_space<hbm>>, %arg6: memref<128xi32, #tpu.memory_space<vmem>>, %arg7: memref<128xi32, #tpu.memory_space<vmem>>, %arg8: memref<128x128xf32, #tpu.memory_space<vmem>>, %arg9: memref<10240x128xf32, #tpu.memory_space<vmem_shared>>, %arg10: memref<!tpu.dma_semaphore, #tpu.memory_space<semaphore_mem>>, %arg11: memref<!tpu.dma_semaphore, #tpu.memory_space<semaphore_mem>>) attributes {dimension_semantics = [#tpu.dimension_semantics<core_parallel>, #tpu.dimension_semantics<subcore_parallel>], iteration_bounds = array<i64: 2, 16>, scalar_prefetch = 0 : i64, scratch_operands = 6 : i64, tpu.core_type = #tpu.core_type<sc_vector_subcore>, window_params = [{transform_indices = #map}, {transform_indices = #map1}, {transform_indices = #map1}, {transform_indices = #map}]} {
    %mul3A = arith.constant 16 : i32
    %mul3A_0 = arith.muli %arg0, %mul3A : i32
    %add3A = arith.addi %mul3A_0, %arg1 : i32
    "tpu.region"() ({
      %run_scoped3A = tpu.sem_alloc : memref<!tpu.dma_semaphore, #tpu.memory_space<semaphore_mem>>
      tpu.enqueue_dma source(%arg3 : memref<128x128xf32, #tpu.memory_space<hbm>>) target(%arg8 : memref<128x128xf32, #tpu.memory_space<vmem>>) target_semaphore(%run_scoped3A : memref<!tpu.dma_semaphore, #tpu.memory_space<semaphore_mem>>)
      tpu.wait_dma2 semaphore(%run_scoped3A : memref<!tpu.dma_semaphore, #tpu.memory_space<semaphore_mem>>) src(%arg3 : memref<128x128xf32, #tpu.memory_space<hbm>>) dst(%arg8 : memref<128x128xf32, #tpu.memory_space<vmem>>)
      tpu.yield
    }) : () -> ()
    %mul3A_1 = arith.constant 640 : i32
    %mul3A_2 = arith.muli %arg1, %mul3A_1 : i32
    %add3A_3 = arith.constant 0 : i32
    %add3A_4 = arith.addi %mul3A_2, %add3A_3 : i32
    "tpu.region"() ({
      %run_scoped3A = tpu.sem_alloc : memref<!tpu.dma_semaphore, #tpu.memory_space<semaphore_mem>>
      %dma_start3A_44 = arith.constant 0 : i32
      %dma_start3A_45 = tpu.memref_slice %arg9[%add3A_4, %dma_start3A_44] : memref<10240x128xf32, #tpu.memory_space<vmem_shared>> -> memref<128x128xf32, #tpu.memory_space<vmem_shared>>
      %dma_start3A_46 = arith.constant 0 : i32
      %dma_start3A_47 = tpu.memref_slice %arg9[%add3A_4, %dma_start3A_46] : memref<10240x128xf32, #tpu.memory_space<vmem_shared>> -> memref<128x128xf32, #tpu.memory_space<vmem_shared>>
      tpu.enqueue_dma source(%arg8 : memref<128x128xf32, #tpu.memory_space<vmem>>) target(%dma_start3A_47 : memref<128x128xf32, #tpu.memory_space<vmem_shared>>) target_semaphore(%run_scoped3A : memref<!tpu.dma_semaphore, #tpu.memory_space<semaphore_mem>>)
      %dma_wait3A = arith.constant 0 : i32
      %dma_wait3A_48 = tpu.memref_slice %arg9[%add3A_4, %dma_wait3A] : memref<10240x128xf32, #tpu.memory_space<vmem_shared>> -> memref<128x128xf32, #tpu.memory_space<vmem_shared>>
      %dma_wait3A_49 = arith.constant 0 : i32
      %dma_wait3A_50 = tpu.memref_slice %arg9[%add3A_4, %dma_wait3A_49] : memref<10240x128xf32, #tpu.memory_space<vmem_shared>> -> memref<128x128xf32, #tpu.memory_space<vmem_shared>>
      tpu.wait_dma2 semaphore(%run_scoped3A : memref<!tpu.dma_semaphore, #tpu.memory_space<semaphore_mem>>) src(%arg8 : memref<128x128xf32, #tpu.memory_space<vmem>>) dst(%dma_wait3A_50 : memref<128x128xf32, #tpu.memory_space<vmem_shared>>)
      tpu.yield
    }) : () -> ()
    %mul3A_5 = arith.constant 640 : i32
    %mul3A_6 = arith.muli %arg1, %mul3A_5 : i32
    %add3A_7 = arith.constant 128 : i32
    %add3A_8 = arith.addi %mul3A_6, %add3A_7 : i32
    "tpu.region"() ({
      %run_scoped3A = tpu.sem_alloc : memref<!tpu.dma_semaphore, #tpu.memory_space<semaphore_mem>>
      %dma_start3A_44 = arith.constant 0 : i32
      %dma_start3A_45 = tpu.memref_slice %arg9[%add3A_8, %dma_start3A_44] : memref<10240x128xf32, #tpu.memory_space<vmem_shared>> -> memref<128x128xf32, #tpu.memory_space<vmem_shared>>
      %dma_start3A_46 = arith.constant 0 : i32
      %dma_start3A_47 = tpu.memref_slice %arg9[%add3A_8, %dma_start3A_46] : memref<10240x128xf32, #tpu.memory_space<vmem_shared>> -> memref<128x128xf32, #tpu.memory_space<vmem_shared>>
      tpu.enqueue_dma source(%arg8 : memref<128x128xf32, #tpu.memory_space<vmem>>) target(%dma_start3A_47 : memref<128x128xf32, #tpu.memory_space<vmem_shared>>) target_semaphore(%run_scoped3A : memref<!tpu.dma_semaphore, #tpu.memory_space<semaphore_mem>>)
      %dma_wait3A = arith.constant 0 : i32
      %dma_wait3A_48 = tpu.memref_slice %arg9[%add3A_8, %dma_wait3A] : memref<10240x128xf32, #tpu.memory_space<vmem_shared>> -> memref<128x128xf32, #tpu.memory_space<vmem_shared>>
      %dma_wait3A_49 = arith.constant 0 : i32
      %dma_wait3A_50 = tpu.memref_slice %arg9[%add3A_8, %dma_wait3A_49] : memref<10240x128xf32, #tpu.memory_space<vmem_shared>> -> memref<128x128xf32, #tpu.memory_space<vmem_shared>>
      tpu.wait_dma2 semaphore(%run_scoped3A : memref<!tpu.dma_semaphore, #tpu.memory_space<semaphore_mem>>) src(%arg8 : memref<128x128xf32, #tpu.memory_space<vmem>>) dst(%dma_wait3A_50 : memref<128x128xf32, #tpu.memory_space<vmem_shared>>)
      tpu.yield
    }) : () -> ()
    %mul3A_9 = arith.constant 640 : i32
    %mul3A_10 = arith.muli %arg1, %mul3A_9 : i32
    %add3A_11 = arith.constant 256 : i32
    %add3A_12 = arith.addi %mul3A_10, %add3A_11 : i32
    "tpu.region"() ({
      %run_scoped3A = tpu.sem_alloc : memref<!tpu.dma_semaphore, #tpu.memory_space<semaphore_mem>>
      %dma_start3A_44 = arith.constant 0 : i32
      %dma_start3A_45 = tpu.memref_slice %arg9[%add3A_12, %dma_start3A_44] : memref<10240x128xf32, #tpu.memory_space<vmem_shared>> -> memref<128x128xf32, #tpu.memory_space<vmem_shared>>
      %dma_start3A_46 = arith.constant 0 : i32
      %dma_start3A_47 = tpu.memref_slice %arg9[%add3A_12, %dma_start3A_46] : memref<10240x128xf32, #tpu.memory_space<vmem_shared>> -> memref<128x128xf32, #tpu.memory_space<vmem_shared>>
      tpu.enqueue_dma source(%arg8 : memref<128x128xf32, #tpu.memory_space<vmem>>) target(%dma_start3A_47 : memref<128x128xf32, #tpu.memory_space<vmem_shared>>) target_semaphore(%run_scoped3A : memref<!tpu.dma_semaphore, #tpu.memory_space<semaphore_mem>>)
      %dma_wait3A = arith.constant 0 : i32
      %dma_wait3A_48 = tpu.memref_slice %arg9[%add3A_12, %dma_wait3A] : memref<10240x128xf32, #tpu.memory_space<vmem_shared>> -> memref<128x128xf32, #tpu.memory_space<vmem_shared>>
      %dma_wait3A_49 = arith.constant 0 : i32
      %dma_wait3A_50 = tpu.memref_slice %arg9[%add3A_12, %dma_wait3A_49] : memref<10240x128xf32, #tpu.memory_space<vmem_shared>> -> memref<128x128xf32, #tpu.memory_space<vmem_shared>>
      tpu.wait_dma2 semaphore(%run_scoped3A : memref<!tpu.dma_semaphore, #tpu.memory_space<semaphore_mem>>) src(%arg8 : memref<128x128xf32, #tpu.memory_space<vmem>>) dst(%dma_wait3A_50 : memref<128x128xf32, #tpu.memory_space<vmem_shared>>)
      tpu.yield
    }) : () -> ()
    %mul3A_13 = arith.constant 640 : i32
    %mul3A_14 = arith.muli %arg1, %mul3A_13 : i32
    %add3A_15 = arith.constant 384 : i32
    %add3A_16 = arith.addi %mul3A_14, %add3A_15 : i32
    "tpu.region"() ({
      %run_scoped3A = tpu.sem_alloc : memref<!tpu.dma_semaphore, #tpu.memory_space<semaphore_mem>>
      %dma_start3A_44 = arith.constant 0 : i32
      %dma_start3A_45 = tpu.memref_slice %arg9[%add3A_16, %dma_start3A_44] : memref<10240x128xf32, #tpu.memory_space<vmem_shared>> -> memref<128x128xf32, #tpu.memory_space<vmem_shared>>
      %dma_start3A_46 = arith.constant 0 : i32
      %dma_start3A_47 = tpu.memref_slice %arg9[%add3A_16, %dma_start3A_46] : memref<10240x128xf32, #tpu.memory_space<vmem_shared>> -> memref<128x128xf32, #tpu.memory_space<vmem_shared>>
      tpu.enqueue_dma source(%arg8 : memref<128x128xf32, #tpu.memory_space<vmem>>) target(%dma_start3A_47 : memref<128x128xf32, #tpu.memory_space<vmem_shared>>) target_semaphore(%run_scoped3A : memref<!tpu.dma_semaphore, #tpu.memory_space<semaphore_mem>>)
      %dma_wait3A = arith.constant 0 : i32
      %dma_wait3A_48 = tpu.memref_slice %arg9[%add3A_16, %dma_wait3A] : memref<10240x128xf32, #tpu.memory_space<vmem_shared>> -> memref<128x128xf32, #tpu.memory_space<vmem_shared>>
      %dma_wait3A_49 = arith.constant 0 : i32
      %dma_wait3A_50 = tpu.memref_slice %arg9[%add3A_16, %dma_wait3A_49] : memref<10240x128xf32, #tpu.memory_space<vmem_shared>> -> memref<128x128xf32, #tpu.memory_space<vmem_shared>>
      tpu.wait_dma2 semaphore(%run_scoped3A : memref<!tpu.dma_semaphore, #tpu.memory_space<semaphore_mem>>) src(%arg8 : memref<128x128xf32, #tpu.memory_space<vmem>>) dst(%dma_wait3A_50 : memref<128x128xf32, #tpu.memory_space<vmem_shared>>)
      tpu.yield
    }) : () -> ()
    %mul3A_17 = arith.constant 640 : i32
    %mul3A_18 = arith.muli %arg1, %mul3A_17 : i32
    %add3A_19 = arith.constant 512 : i32
    %add3A_20 = arith.addi %mul3A_18, %add3A_19 : i32
    "tpu.region"() ({
      %run_scoped3A = tpu.sem_alloc : memref<!tpu.dma_semaphore, #tpu.memory_space<semaphore_mem>>
      %dma_start3A_44 = arith.constant 0 : i32
      %dma_start3A_45 = tpu.memref_slice %arg9[%add3A_20, %dma_start3A_44] : memref<10240x128xf32, #tpu.memory_space<vmem_shared>> -> memref<128x128xf32, #tpu.memory_space<vmem_shared>>
      %dma_start3A_46 = arith.constant 0 : i32
      %dma_start3A_47 = tpu.memref_slice %arg9[%add3A_20, %dma_start3A_46] : memref<10240x128xf32, #tpu.memory_space<vmem_shared>> -> memref<128x128xf32, #tpu.memory_space<vmem_shared>>
      tpu.enqueue_dma source(%arg8 : memref<128x128xf32, #tpu.memory_space<vmem>>) target(%dma_start3A_47 : memref<128x128xf32, #tpu.memory_space<vmem_shared>>) target_semaphore(%run_scoped3A : memref<!tpu.dma_semaphore, #tpu.memory_space<semaphore_mem>>)
      %dma_wait3A = arith.constant 0 : i32
      %dma_wait3A_48 = tpu.memref_slice %arg9[%add3A_20, %dma_wait3A] : memref<10240x128xf32, #tpu.memory_space<vmem_shared>> -> memref<128x128xf32, #tpu.memory_space<vmem_shared>>
      %dma_wait3A_49 = arith.constant 0 : i32
      %dma_wait3A_50 = tpu.memref_slice %arg9[%add3A_20, %dma_wait3A_49] : memref<10240x128xf32, #tpu.memory_space<vmem_shared>> -> memref<128x128xf32, #tpu.memory_space<vmem_shared>>
      tpu.wait_dma2 semaphore(%run_scoped3A : memref<!tpu.dma_semaphore, #tpu.memory_space<semaphore_mem>>) src(%arg8 : memref<128x128xf32, #tpu.memory_space<vmem>>) dst(%dma_wait3A_50 : memref<128x128xf32, #tpu.memory_space<vmem_shared>>)
      tpu.yield
    }) : () -> ()
    "tpu.region"() ({
      %run_scoped3A = tpu.sem_alloc : memref<!tpu.dma_semaphore, #tpu.memory_space<semaphore_mem>>
      tpu.enqueue_dma source(%arg4 : memref<128x128xf32, #tpu.memory_space<hbm>>) target(%arg8 : memref<128x128xf32, #tpu.memory_space<vmem>>) target_semaphore(%run_scoped3A : memref<!tpu.dma_semaphore, #tpu.memory_space<semaphore_mem>>)
      tpu.wait_dma2 semaphore(%run_scoped3A : memref<!tpu.dma_semaphore, #tpu.memory_space<semaphore_mem>>) src(%arg4 : memref<128x128xf32, #tpu.memory_space<hbm>>) dst(%arg8 : memref<128x128xf32, #tpu.memory_space<vmem>>)
      tpu.yield
    }) : () -> ()
    %barrier3A = arith.constant 0 : index
    tpu.barrier barrier_id(%barrier3A)
    %dma_start3A = arith.constant 0 : i32
    %dma_start3A_21 = arith.constant 0 : i32
    %dma_start3A_22 = tpu.memref_slice %arg2[%add3A, %dma_start3A, %dma_start3A_21] : memref<32x80x128xi32, #tpu.memory_space<hbm>> -> memref<1x1x128xi32, #tpu.memory_space<hbm>>
    %dma_start3A_23 = tpu.memref_squeeze %dma_start3A_22 : memref<1x1x128xi32, #tpu.memory_space<hbm>> -> memref<128xi32, #tpu.memory_space<hbm>>
    %dma_start3A_24 = arith.constant 0 : i32
    %dma_start3A_25 = tpu.memref_slice %arg2[%add3A, %dma_start3A, %dma_start3A_24] : memref<32x80x128xi32, #tpu.memory_space<hbm>> -> memref<1x1x128xi32, #tpu.memory_space<hbm>>
    %dma_start3A_26 = tpu.memref_squeeze %dma_start3A_25 : memref<1x1x128xi32, #tpu.memory_space<hbm>> -> memref<128xi32, #tpu.memory_space<hbm>>
    tpu.enqueue_dma source(%dma_start3A_26 : memref<128xi32, #tpu.memory_space<hbm>>) target(%arg6 : memref<128xi32, #tpu.memory_space<vmem>>) target_semaphore(%arg10 : memref<!tpu.dma_semaphore, #tpu.memory_space<semaphore_mem>>)
    %dma_start3A_27 = arith.constant 1 : i32
    %dma_start3A_28 = arith.constant 0 : i32
    %dma_start3A_29 = tpu.memref_slice %arg2[%add3A, %dma_start3A_27, %dma_start3A_28] : memref<32x80x128xi32, #tpu.memory_space<hbm>> -> memref<1x1x128xi32, #tpu.memory_space<hbm>>
    %dma_start3A_30 = tpu.memref_squeeze %dma_start3A_29 : memref<1x1x128xi32, #tpu.memory_space<hbm>> -> memref<128xi32, #tpu.memory_space<hbm>>
    %dma_start3A_31 = arith.constant 0 : i32
    %dma_start3A_32 = tpu.memref_slice %arg2[%add3A, %dma_start3A_27, %dma_start3A_31] : memref<32x80x128xi32, #tpu.memory_space<hbm>> -> memref<1x1x128xi32, #tpu.memory_space<hbm>>
    %dma_start3A_33 = tpu.memref_squeeze %dma_start3A_32 : memref<1x1x128xi32, #tpu.memory_space<hbm>> -> memref<128xi32, #tpu.memory_space<hbm>>
    tpu.enqueue_dma source(%dma_start3A_33 : memref<128xi32, #tpu.memory_space<hbm>>) target(%arg7 : memref<128xi32, #tpu.memory_space<vmem>>) target_semaphore(%arg11 : memref<!tpu.dma_semaphore, #tpu.memory_space<semaphore_mem>>)
    %scan3A = arith.constant 0 : i32
    %scan3A_34 = arith.constant 0 : i32
    %scan3A_35 = arith.constant 40 : i32
    %scan3A_36 = arith.addi %scan3A_34, %scan3A_35 : i32
    %scan3A_37 = arith.constant 1 : i32
    scf.for %scan3A_44 = %scan3A_34 to %scan3A_36 step %scan3A_37  : i32 {
      %mul3A_45 = arith.constant 2 : i32
      %mul3A_46 = arith.muli %scan3A_44, %mul3A_45 : i32
      %dma_wait3A = arith.constant 0 : i32
      %dma_wait3A_47 = tpu.memref_slice %arg2[%add3A, %mul3A_46, %dma_wait3A] : memref<32x80x128xi32, #tpu.memory_space<hbm>> -> memref<1x1x128xi32, #tpu.memory_space<hbm>>
      %dma_wait3A_48 = tpu.memref_squeeze %dma_wait3A_47 : memref<1x1x128xi32, #tpu.memory_space<hbm>> -> memref<128xi32, #tpu.memory_space<hbm>>
      %dma_wait3A_49 = arith.constant 0 : i32
      %dma_wait3A_50 = tpu.memref_slice %arg2[%add3A, %mul3A_46, %dma_wait3A_49] : memref<32x80x128xi32, #tpu.memory_space<hbm>> -> memref<1x1x128xi32, #tpu.memory_space<hbm>>
      %dma_wait3A_51 = tpu.memref_squeeze %dma_wait3A_50 : memref<1x1x128xi32, #tpu.memory_space<hbm>> -> memref<128xi32, #tpu.memory_space<hbm>>
      tpu.wait_dma2 semaphore(%arg10 : memref<!tpu.dma_semaphore, #tpu.memory_space<semaphore_mem>>) src(%dma_wait3A_51 : memref<128xi32, #tpu.memory_space<hbm>>) dst(%arg6 : memref<128xi32, #tpu.memory_space<vmem>>)
      "tpu.region"() ({
        %run_scoped3A = tpu.sem_alloc : memref<!tpu.dma_semaphore, #tpu.memory_space<semaphore_mem>>
        %dma_start3A_71 = arith.constant 0 : i32
        %dma_start3A_72 = arith.constant 0 : i32
        %dma_start3A_73 = tpu.memref_slice %arg9[%dma_start3A_71, %dma_start3A_72] : memref<10240x128xf32, #tpu.memory_space<vmem_shared>> -> memref<10240x128xf32, #tpu.memory_space<vmem_shared>>
        tpu.enqueue_indirect_dma source(%arg8 : memref<128x128xf32, #tpu.memory_space<vmem>>) target(%dma_start3A_73 : memref<10240x128xf32, #tpu.memory_space<vmem_shared>>) offsets(%arg6 : memref<128xi32, #tpu.memory_space<vmem>>) semaphore(%run_scoped3A : memref<!tpu.dma_semaphore, #tpu.memory_space<semaphore_mem>>) {add = true}
        %dma_wait3A_74 = arith.constant 0 : i32
        %dma_wait3A_75 = arith.constant 0 : i32
        %dma_wait3A_76 = tpu.memref_slice %arg9[%dma_wait3A_74, %dma_wait3A_75] : memref<10240x128xf32, #tpu.memory_space<vmem_shared>> -> memref<10240x128xf32, #tpu.memory_space<vmem_shared>>
        tpu.wait_indirect_dma semaphore(%run_scoped3A : memref<!tpu.dma_semaphore, #tpu.memory_space<semaphore_mem>>) src(%arg8 : memref<128x128xf32, #tpu.memory_space<vmem>>) dst(%dma_wait3A_76 : memref<10240x128xf32, #tpu.memory_space<vmem_shared>>)
        tpu.yield
      }) : () -> ()
      %add3A_52 = arith.constant 2 : i32
      %add3A_53 = arith.addi %mul3A_46, %add3A_52 : i32
      %lt3A = arith.constant 80 : i32
      %lt3A_54 = arith.cmpi slt, %add3A_53, %lt3A : i32
      %convert_element_type3A = arith.extui %lt3A_54 : i1 to i32
      %cond3A = arith.constant 0 : i32
      %cond3A_55 = arith.cmpi ne, %convert_element_type3A, %cond3A : i32
      scf.if %cond3A_55 {
        %add3A_71 = arith.constant 2 : i32
        %add3A_72 = arith.addi %mul3A_46, %add3A_71 : i32
        %dma_start3A_73 = arith.constant 0 : i32
        %dma_start3A_74 = tpu.memref_slice %arg2[%add3A, %add3A_72, %dma_start3A_73] : memref<32x80x128xi32, #tpu.memory_space<hbm>> -> memref<1x1x128xi32, #tpu.memory_space<hbm>>
        %dma_start3A_75 = tpu.memref_squeeze %dma_start3A_74 : memref<1x1x128xi32, #tpu.memory_space<hbm>> -> memref<128xi32, #tpu.memory_space<hbm>>
        %dma_start3A_76 = arith.constant 0 : i32
        %dma_start3A_77 = tpu.memref_slice %arg2[%add3A, %add3A_72, %dma_start3A_76] : memref<32x80x128xi32, #tpu.memory_space<hbm>> -> memref<1x1x128xi32, #tpu.memory_space<hbm>>
        %dma_start3A_78 = tpu.memref_squeeze %dma_start3A_77 : memref<1x1x128xi32, #tpu.memory_space<hbm>> -> memref<128xi32, #tpu.memory_space<hbm>>
        tpu.enqueue_dma source(%dma_start3A_78 : memref<128xi32, #tpu.memory_space<hbm>>) target(%arg6 : memref<128xi32, #tpu.memory_space<vmem>>) target_semaphore(%arg10 : memref<!tpu.dma_semaphore, #tpu.memory_space<semaphore_mem>>)
      } else {
      }
      %add3A_56 = arith.constant 1 : i32
      %add3A_57 = arith.addi %mul3A_46, %add3A_56 : i32
      %dma_wait3A_58 = arith.constant 0 : i32
      %dma_wait3A_59 = tpu.memref_slice %arg2[%add3A, %add3A_57, %dma_wait3A_58] : memref<32x80x128xi32, #tpu.memory_space<hbm>> -> memref<1x1x128xi32, #tpu.memory_space<hbm>>
      %dma_wait3A_60 = tpu.memref_squeeze %dma_wait3A_59 : memref<1x1x128xi32, #tpu.memory_space<hbm>> -> memref<128xi32, #tpu.memory_space<hbm>>
      %dma_wait3A_61 = arith.constant 0 : i32
      %dma_wait3A_62 = tpu.memref_slice %arg2[%add3A, %add3A_57, %dma_wait3A_61] : memref<32x80x128xi32, #tpu.memory_space<hbm>> -> memref<1x1x128xi32, #tpu.memory_space<hbm>>
      %dma_wait3A_63 = tpu.memref_squeeze %dma_wait3A_62 : memref<1x1x128xi32, #tpu.memory_space<hbm>> -> memref<128xi32, #tpu.memory_space<hbm>>
      tpu.wait_dma2 semaphore(%arg11 : memref<!tpu.dma_semaphore, #tpu.memory_space<semaphore_mem>>) src(%dma_wait3A_63 : memref<128xi32, #tpu.memory_space<hbm>>) dst(%arg7 : memref<128xi32, #tpu.memory_space<vmem>>)
      "tpu.region"() ({
        %run_scoped3A = tpu.sem_alloc : memref<!tpu.dma_semaphore, #tpu.memory_space<semaphore_mem>>
        %dma_start3A_71 = arith.constant 0 : i32
        %dma_start3A_72 = arith.constant 0 : i32
        %dma_start3A_73 = tpu.memref_slice %arg9[%dma_start3A_71, %dma_start3A_72] : memref<10240x128xf32, #tpu.memory_space<vmem_shared>> -> memref<10240x128xf32, #tpu.memory_space<vmem_shared>>
        tpu.enqueue_indirect_dma source(%arg8 : memref<128x128xf32, #tpu.memory_space<vmem>>) target(%dma_start3A_73 : memref<10240x128xf32, #tpu.memory_space<vmem_shared>>) offsets(%arg7 : memref<128xi32, #tpu.memory_space<vmem>>) semaphore(%run_scoped3A : memref<!tpu.dma_semaphore, #tpu.memory_space<semaphore_mem>>) {add = true}
        %dma_wait3A_74 = arith.constant 0 : i32
        %dma_wait3A_75 = arith.constant 0 : i32
        %dma_wait3A_76 = tpu.memref_slice %arg9[%dma_wait3A_74, %dma_wait3A_75] : memref<10240x128xf32, #tpu.memory_space<vmem_shared>> -> memref<10240x128xf32, #tpu.memory_space<vmem_shared>>
        tpu.wait_indirect_dma semaphore(%run_scoped3A : memref<!tpu.dma_semaphore, #tpu.memory_space<semaphore_mem>>) src(%arg8 : memref<128x128xf32, #tpu.memory_space<vmem>>) dst(%dma_wait3A_76 : memref<10240x128xf32, #tpu.memory_space<vmem_shared>>)
        tpu.yield
      }) : () -> ()
      %add3A_64 = arith.constant 3 : i32
      %add3A_65 = arith.addi %mul3A_46, %add3A_64 : i32
      %lt3A_66 = arith.constant 80 : i32
      %lt3A_67 = arith.cmpi slt, %add3A_65, %lt3A_66 : i32
      %convert_element_type3A_68 = arith.extui %lt3A_67 : i1 to i32
      %cond3A_69 = arith.constant 0 : i32
      %cond3A_70 = arith.cmpi ne, %convert_element_type3A_68, %cond3A_69 : i32
      scf.if %cond3A_70 {
        %add3A_71 = arith.constant 3 : i32
        %add3A_72 = arith.addi %mul3A_46, %add3A_71 : i32
        %dma_start3A_73 = arith.constant 0 : i32
        %dma_start3A_74 = tpu.memref_slice %arg2[%add3A, %add3A_72, %dma_start3A_73] : memref<32x80x128xi32, #tpu.memory_space<hbm>> -> memref<1x1x128xi32, #tpu.memory_space<hbm>>
        %dma_start3A_75 = tpu.memref_squeeze %dma_start3A_74 : memref<1x1x128xi32, #tpu.memory_space<hbm>> -> memref<128xi32, #tpu.memory_space<hbm>>
        %dma_start3A_76 = arith.constant 0 : i32
        %dma_start3A_77 = tpu.memref_slice %arg2[%add3A, %add3A_72, %dma_start3A_76] : memref<32x80x128xi32, #tpu.memory_space<hbm>> -> memref<1x1x128xi32, #tpu.memory_space<hbm>>
        %dma_start3A_78 = tpu.memref_squeeze %dma_start3A_77 : memref<1x1x128xi32, #tpu.memory_space<hbm>> -> memref<128xi32, #tpu.memory_space<hbm>>
        tpu.enqueue_dma source(%dma_start3A_78 : memref<128xi32, #tpu.memory_space<hbm>>) target(%arg7 : memref<128xi32, #tpu.memory_space<vmem>>) target_semaphore(%arg11 : memref<!tpu.dma_semaphore, #tpu.memory_space<semaphore_mem>>)
      } else {
      }
    }
    %scan3A_38 = arith.constant 40 : i32
    %barrier3A_39 = arith.constant 0 : index
    tpu.barrier barrier_id(%barrier3A_39)
    %mul3A_40 = arith.constant 640 : i32
    %mul3A_41 = arith.muli %arg1, %mul3A_40 : i32
    %mul3A_42 = arith.constant 640 : i32
    %mul3A_43 = arith.muli %arg1, %mul3A_42 : i32
    "tpu.region"() ({
      %run_scoped3A = tpu.sem_alloc : memref<!tpu.dma_semaphore, #tpu.memory_space<semaphore_mem>>
      %dma_start3A_44 = arith.constant 0 : i32
      %dma_start3A_45 = tpu.memref_slice %arg5[%arg0, %mul3A_43, %dma_start3A_44] : memref<2x10240x128xf32, #tpu.memory_space<hbm>> -> memref<1x640x128xf32, #tpu.memory_space<hbm>>
      %dma_start3A_46 = tpu.memref_squeeze %dma_start3A_45 : memref<1x640x128xf32, #tpu.memory_space<hbm>> -> memref<640x128xf32, #tpu.memory_space<hbm>>
      %dma_start3A_47 = arith.constant 0 : i32
      %dma_start3A_48 = tpu.memref_slice %arg9[%mul3A_41, %dma_start3A_47] : memref<10240x128xf32, #tpu.memory_space<vmem_shared>> -> memref<640x128xf32, #tpu.memory_space<vmem_shared>>
      tpu.enqueue_dma source(%dma_start3A_48 : memref<640x128xf32, #tpu.memory_space<vmem_shared>>) target(%dma_start3A_46 : memref<640x128xf32, #tpu.memory_space<hbm>>) target_semaphore(%run_scoped3A : memref<!tpu.dma_semaphore, #tpu.memory_space<semaphore_mem>>)
      %dma_wait3A = arith.constant 0 : i32
      %dma_wait3A_49 = tpu.memref_slice %arg5[%arg0, %mul3A_43, %dma_wait3A] : memref<2x10240x128xf32, #tpu.memory_space<hbm>> -> memref<1x640x128xf32, #tpu.memory_space<hbm>>
      %dma_wait3A_50 = tpu.memref_squeeze %dma_wait3A_49 : memref<1x640x128xf32, #tpu.memory_space<hbm>> -> memref<640x128xf32, #tpu.memory_space<hbm>>
      %dma_wait3A_51 = arith.constant 0 : i32
      %dma_wait3A_52 = tpu.memref_slice %arg9[%mul3A_41, %dma_wait3A_51] : memref<10240x128xf32, #tpu.memory_space<vmem_shared>> -> memref<640x128xf32, #tpu.memory_space<vmem_shared>>
      tpu.wait_dma2 semaphore(%run_scoped3A : memref<!tpu.dma_semaphore, #tpu.memory_space<semaphore_mem>>) src(%dma_wait3A_52 : memref<640x128xf32, #tpu.memory_space<vmem_shared>>) dst(%dma_wait3A_50 : memref<640x128xf32, #tpu.memory_space<hbm>>)
      tpu.yield
    }) : () -> ()
    return
  }
}

#map = affine_map<(d0, d1) -> (0, 0)>
#map1 = affine_map<(d0, d1) -> (0, 0, 0)>
module attributes {stable_mosaic.version = 14 : i64} {
  func.func @_hop_body(%arg0: i32, %arg1: i32, %arg2: memref<10000x128xf32, #tpu.memory_space<hbm>>, %arg3: memref<32x80x128xi32, #tpu.memory_space<hbm>>, %arg4: memref<32x80x128xi32, #tpu.memory_space<hbm>>, %arg5: memref<128x128xf32, #tpu.memory_space<hbm>>, %arg6: memref<2x10240x128xf32, #tpu.memory_space<hbm>>, %arg7: memref<80x128xi32, #tpu.memory_space<vmem>>, %arg8: memref<128xi32, #tpu.memory_space<vmem>>, %arg9: memref<128xi32, #tpu.memory_space<vmem>>, %arg10: memref<128x128xf32, #tpu.memory_space<vmem>>, %arg11: memref<128x128xf32, #tpu.memory_space<vmem>>, %arg12: memref<10240x128xf32, #tpu.memory_space<vmem_shared>>, %arg13: memref<!tpu.dma_semaphore, #tpu.memory_space<semaphore_mem>>, %arg14: memref<!tpu.dma_semaphore, #tpu.memory_space<semaphore_mem>>, %arg15: memref<!tpu.dma_semaphore, #tpu.memory_space<semaphore_mem>>, %arg16: memref<!tpu.dma_semaphore, #tpu.memory_space<semaphore_mem>>) attributes {dimension_semantics = [#tpu.dimension_semantics<core_parallel>, #tpu.dimension_semantics<subcore_parallel>], iteration_bounds = array<i64: 2, 16>, scalar_prefetch = 0 : i64, scratch_operands = 10 : i64, tpu.core_type = #tpu.core_type<sc_vector_subcore>, window_params = [{transform_indices = #map}, {transform_indices = #map1}, {transform_indices = #map1}, {transform_indices = #map}, {transform_indices = #map1}]} {
    %mul3A = arith.constant 16 : i32
    %mul3A_0 = arith.muli %arg0, %mul3A : i32
    %add3A = arith.addi %mul3A_0, %arg1 : i32
    "tpu.region"() ({
      %run_scoped3A = tpu.sem_alloc : memref<!tpu.dma_semaphore, #tpu.memory_space<semaphore_mem>>
      tpu.enqueue_dma source(%arg5 : memref<128x128xf32, #tpu.memory_space<hbm>>) target(%arg10 : memref<128x128xf32, #tpu.memory_space<vmem>>) target_semaphore(%run_scoped3A : memref<!tpu.dma_semaphore, #tpu.memory_space<semaphore_mem>>)
      tpu.wait_dma2 semaphore(%run_scoped3A : memref<!tpu.dma_semaphore, #tpu.memory_space<semaphore_mem>>) src(%arg5 : memref<128x128xf32, #tpu.memory_space<hbm>>) dst(%arg10 : memref<128x128xf32, #tpu.memory_space<vmem>>)
      tpu.yield
    }) : () -> ()
    %mul3A_1 = arith.constant 640 : i32
    %mul3A_2 = arith.muli %arg1, %mul3A_1 : i32
    %add3A_3 = arith.constant 0 : i32
    %add3A_4 = arith.addi %mul3A_2, %add3A_3 : i32
    "tpu.region"() ({
      %run_scoped3A = tpu.sem_alloc : memref<!tpu.dma_semaphore, #tpu.memory_space<semaphore_mem>>
      %dma_start3A_58 = arith.constant 0 : i32
      %dma_start3A_59 = tpu.memref_slice %arg12[%add3A_4, %dma_start3A_58] : memref<10240x128xf32, #tpu.memory_space<vmem_shared>> -> memref<128x128xf32, #tpu.memory_space<vmem_shared>>
      %dma_start3A_60 = arith.constant 0 : i32
      %dma_start3A_61 = tpu.memref_slice %arg12[%add3A_4, %dma_start3A_60] : memref<10240x128xf32, #tpu.memory_space<vmem_shared>> -> memref<128x128xf32, #tpu.memory_space<vmem_shared>>
      tpu.enqueue_dma source(%arg10 : memref<128x128xf32, #tpu.memory_space<vmem>>) target(%dma_start3A_61 : memref<128x128xf32, #tpu.memory_space<vmem_shared>>) target_semaphore(%run_scoped3A : memref<!tpu.dma_semaphore, #tpu.memory_space<semaphore_mem>>)
      %dma_wait3A = arith.constant 0 : i32
      %dma_wait3A_62 = tpu.memref_slice %arg12[%add3A_4, %dma_wait3A] : memref<10240x128xf32, #tpu.memory_space<vmem_shared>> -> memref<128x128xf32, #tpu.memory_space<vmem_shared>>
      %dma_wait3A_63 = arith.constant 0 : i32
      %dma_wait3A_64 = tpu.memref_slice %arg12[%add3A_4, %dma_wait3A_63] : memref<10240x128xf32, #tpu.memory_space<vmem_shared>> -> memref<128x128xf32, #tpu.memory_space<vmem_shared>>
      tpu.wait_dma2 semaphore(%run_scoped3A : memref<!tpu.dma_semaphore, #tpu.memory_space<semaphore_mem>>) src(%arg10 : memref<128x128xf32, #tpu.memory_space<vmem>>) dst(%dma_wait3A_64 : memref<128x128xf32, #tpu.memory_space<vmem_shared>>)
      tpu.yield
    }) : () -> ()
    %mul3A_5 = arith.constant 640 : i32
    %mul3A_6 = arith.muli %arg1, %mul3A_5 : i32
    %add3A_7 = arith.constant 128 : i32
    %add3A_8 = arith.addi %mul3A_6, %add3A_7 : i32
    "tpu.region"() ({
      %run_scoped3A = tpu.sem_alloc : memref<!tpu.dma_semaphore, #tpu.memory_space<semaphore_mem>>
      %dma_start3A_58 = arith.constant 0 : i32
      %dma_start3A_59 = tpu.memref_slice %arg12[%add3A_8, %dma_start3A_58] : memref<10240x128xf32, #tpu.memory_space<vmem_shared>> -> memref<128x128xf32, #tpu.memory_space<vmem_shared>>
      %dma_start3A_60 = arith.constant 0 : i32
      %dma_start3A_61 = tpu.memref_slice %arg12[%add3A_8, %dma_start3A_60] : memref<10240x128xf32, #tpu.memory_space<vmem_shared>> -> memref<128x128xf32, #tpu.memory_space<vmem_shared>>
      tpu.enqueue_dma source(%arg10 : memref<128x128xf32, #tpu.memory_space<vmem>>) target(%dma_start3A_61 : memref<128x128xf32, #tpu.memory_space<vmem_shared>>) target_semaphore(%run_scoped3A : memref<!tpu.dma_semaphore, #tpu.memory_space<semaphore_mem>>)
      %dma_wait3A = arith.constant 0 : i32
      %dma_wait3A_62 = tpu.memref_slice %arg12[%add3A_8, %dma_wait3A] : memref<10240x128xf32, #tpu.memory_space<vmem_shared>> -> memref<128x128xf32, #tpu.memory_space<vmem_shared>>
      %dma_wait3A_63 = arith.constant 0 : i32
      %dma_wait3A_64 = tpu.memref_slice %arg12[%add3A_8, %dma_wait3A_63] : memref<10240x128xf32, #tpu.memory_space<vmem_shared>> -> memref<128x128xf32, #tpu.memory_space<vmem_shared>>
      tpu.wait_dma2 semaphore(%run_scoped3A : memref<!tpu.dma_semaphore, #tpu.memory_space<semaphore_mem>>) src(%arg10 : memref<128x128xf32, #tpu.memory_space<vmem>>) dst(%dma_wait3A_64 : memref<128x128xf32, #tpu.memory_space<vmem_shared>>)
      tpu.yield
    }) : () -> ()
    %mul3A_9 = arith.constant 640 : i32
    %mul3A_10 = arith.muli %arg1, %mul3A_9 : i32
    %add3A_11 = arith.constant 256 : i32
    %add3A_12 = arith.addi %mul3A_10, %add3A_11 : i32
    "tpu.region"() ({
      %run_scoped3A = tpu.sem_alloc : memref<!tpu.dma_semaphore, #tpu.memory_space<semaphore_mem>>
      %dma_start3A_58 = arith.constant 0 : i32
      %dma_start3A_59 = tpu.memref_slice %arg12[%add3A_12, %dma_start3A_58] : memref<10240x128xf32, #tpu.memory_space<vmem_shared>> -> memref<128x128xf32, #tpu.memory_space<vmem_shared>>
      %dma_start3A_60 = arith.constant 0 : i32
      %dma_start3A_61 = tpu.memref_slice %arg12[%add3A_12, %dma_start3A_60] : memref<10240x128xf32, #tpu.memory_space<vmem_shared>> -> memref<128x128xf32, #tpu.memory_space<vmem_shared>>
      tpu.enqueue_dma source(%arg10 : memref<128x128xf32, #tpu.memory_space<vmem>>) target(%dma_start3A_61 : memref<128x128xf32, #tpu.memory_space<vmem_shared>>) target_semaphore(%run_scoped3A : memref<!tpu.dma_semaphore, #tpu.memory_space<semaphore_mem>>)
      %dma_wait3A = arith.constant 0 : i32
      %dma_wait3A_62 = tpu.memref_slice %arg12[%add3A_12, %dma_wait3A] : memref<10240x128xf32, #tpu.memory_space<vmem_shared>> -> memref<128x128xf32, #tpu.memory_space<vmem_shared>>
      %dma_wait3A_63 = arith.constant 0 : i32
      %dma_wait3A_64 = tpu.memref_slice %arg12[%add3A_12, %dma_wait3A_63] : memref<10240x128xf32, #tpu.memory_space<vmem_shared>> -> memref<128x128xf32, #tpu.memory_space<vmem_shared>>
      tpu.wait_dma2 semaphore(%run_scoped3A : memref<!tpu.dma_semaphore, #tpu.memory_space<semaphore_mem>>) src(%arg10 : memref<128x128xf32, #tpu.memory_space<vmem>>) dst(%dma_wait3A_64 : memref<128x128xf32, #tpu.memory_space<vmem_shared>>)
      tpu.yield
    }) : () -> ()
    %mul3A_13 = arith.constant 640 : i32
    %mul3A_14 = arith.muli %arg1, %mul3A_13 : i32
    %add3A_15 = arith.constant 384 : i32
    %add3A_16 = arith.addi %mul3A_14, %add3A_15 : i32
    "tpu.region"() ({
      %run_scoped3A = tpu.sem_alloc : memref<!tpu.dma_semaphore, #tpu.memory_space<semaphore_mem>>
      %dma_start3A_58 = arith.constant 0 : i32
      %dma_start3A_59 = tpu.memref_slice %arg12[%add3A_16, %dma_start3A_58] : memref<10240x128xf32, #tpu.memory_space<vmem_shared>> -> memref<128x128xf32, #tpu.memory_space<vmem_shared>>
      %dma_start3A_60 = arith.constant 0 : i32
      %dma_start3A_61 = tpu.memref_slice %arg12[%add3A_16, %dma_start3A_60] : memref<10240x128xf32, #tpu.memory_space<vmem_shared>> -> memref<128x128xf32, #tpu.memory_space<vmem_shared>>
      tpu.enqueue_dma source(%arg10 : memref<128x128xf32, #tpu.memory_space<vmem>>) target(%dma_start3A_61 : memref<128x128xf32, #tpu.memory_space<vmem_shared>>) target_semaphore(%run_scoped3A : memref<!tpu.dma_semaphore, #tpu.memory_space<semaphore_mem>>)
      %dma_wait3A = arith.constant 0 : i32
      %dma_wait3A_62 = tpu.memref_slice %arg12[%add3A_16, %dma_wait3A] : memref<10240x128xf32, #tpu.memory_space<vmem_shared>> -> memref<128x128xf32, #tpu.memory_space<vmem_shared>>
      %dma_wait3A_63 = arith.constant 0 : i32
      %dma_wait3A_64 = tpu.memref_slice %arg12[%add3A_16, %dma_wait3A_63] : memref<10240x128xf32, #tpu.memory_space<vmem_shared>> -> memref<128x128xf32, #tpu.memory_space<vmem_shared>>
      tpu.wait_dma2 semaphore(%run_scoped3A : memref<!tpu.dma_semaphore, #tpu.memory_space<semaphore_mem>>) src(%arg10 : memref<128x128xf32, #tpu.memory_space<vmem>>) dst(%dma_wait3A_64 : memref<128x128xf32, #tpu.memory_space<vmem_shared>>)
      tpu.yield
    }) : () -> ()
    %mul3A_17 = arith.constant 640 : i32
    %mul3A_18 = arith.muli %arg1, %mul3A_17 : i32
    %add3A_19 = arith.constant 512 : i32
    %add3A_20 = arith.addi %mul3A_18, %add3A_19 : i32
    "tpu.region"() ({
      %run_scoped3A = tpu.sem_alloc : memref<!tpu.dma_semaphore, #tpu.memory_space<semaphore_mem>>
      %dma_start3A_58 = arith.constant 0 : i32
      %dma_start3A_59 = tpu.memref_slice %arg12[%add3A_20, %dma_start3A_58] : memref<10240x128xf32, #tpu.memory_space<vmem_shared>> -> memref<128x128xf32, #tpu.memory_space<vmem_shared>>
      %dma_start3A_60 = arith.constant 0 : i32
      %dma_start3A_61 = tpu.memref_slice %arg12[%add3A_20, %dma_start3A_60] : memref<10240x128xf32, #tpu.memory_space<vmem_shared>> -> memref<128x128xf32, #tpu.memory_space<vmem_shared>>
      tpu.enqueue_dma source(%arg10 : memref<128x128xf32, #tpu.memory_space<vmem>>) target(%dma_start3A_61 : memref<128x128xf32, #tpu.memory_space<vmem_shared>>) target_semaphore(%run_scoped3A : memref<!tpu.dma_semaphore, #tpu.memory_space<semaphore_mem>>)
      %dma_wait3A = arith.constant 0 : i32
      %dma_wait3A_62 = tpu.memref_slice %arg12[%add3A_20, %dma_wait3A] : memref<10240x128xf32, #tpu.memory_space<vmem_shared>> -> memref<128x128xf32, #tpu.memory_space<vmem_shared>>
      %dma_wait3A_63 = arith.constant 0 : i32
      %dma_wait3A_64 = tpu.memref_slice %arg12[%add3A_20, %dma_wait3A_63] : memref<10240x128xf32, #tpu.memory_space<vmem_shared>> -> memref<128x128xf32, #tpu.memory_space<vmem_shared>>
      tpu.wait_dma2 semaphore(%run_scoped3A : memref<!tpu.dma_semaphore, #tpu.memory_space<semaphore_mem>>) src(%arg10 : memref<128x128xf32, #tpu.memory_space<vmem>>) dst(%dma_wait3A_64 : memref<128x128xf32, #tpu.memory_space<vmem_shared>>)
      tpu.yield
    }) : () -> ()
    "tpu.region"() ({
      %run_scoped3A = tpu.sem_alloc : memref<!tpu.dma_semaphore, #tpu.memory_space<semaphore_mem>>
      %dma_start3A_58 = arith.constant 0 : i32
      %dma_start3A_59 = arith.constant 0 : i32
      %dma_start3A_60 = tpu.memref_slice %arg4[%add3A, %dma_start3A_58, %dma_start3A_59] : memref<32x80x128xi32, #tpu.memory_space<hbm>> -> memref<1x80x128xi32, #tpu.memory_space<hbm>>
      %dma_start3A_61 = tpu.memref_squeeze %dma_start3A_60 : memref<1x80x128xi32, #tpu.memory_space<hbm>> -> memref<80x128xi32, #tpu.memory_space<hbm>>
      %dma_start3A_62 = arith.constant 0 : i32
      %dma_start3A_63 = arith.constant 0 : i32
      %dma_start3A_64 = tpu.memref_slice %arg4[%add3A, %dma_start3A_62, %dma_start3A_63] : memref<32x80x128xi32, #tpu.memory_space<hbm>> -> memref<1x80x128xi32, #tpu.memory_space<hbm>>
      %dma_start3A_65 = tpu.memref_squeeze %dma_start3A_64 : memref<1x80x128xi32, #tpu.memory_space<hbm>> -> memref<80x128xi32, #tpu.memory_space<hbm>>
      tpu.enqueue_dma source(%dma_start3A_65 : memref<80x128xi32, #tpu.memory_space<hbm>>) target(%arg7 : memref<80x128xi32, #tpu.memory_space<vmem>>) target_semaphore(%run_scoped3A : memref<!tpu.dma_semaphore, #tpu.memory_space<semaphore_mem>>)
      %dma_wait3A = arith.constant 0 : i32
      %dma_wait3A_66 = arith.constant 0 : i32
      %dma_wait3A_67 = tpu.memref_slice %arg4[%add3A, %dma_wait3A, %dma_wait3A_66] : memref<32x80x128xi32, #tpu.memory_space<hbm>> -> memref<1x80x128xi32, #tpu.memory_space<hbm>>
      %dma_wait3A_68 = tpu.memref_squeeze %dma_wait3A_67 : memref<1x80x128xi32, #tpu.memory_space<hbm>> -> memref<80x128xi32, #tpu.memory_space<hbm>>
      %dma_wait3A_69 = arith.constant 0 : i32
      %dma_wait3A_70 = arith.constant 0 : i32
      %dma_wait3A_71 = tpu.memref_slice %arg4[%add3A, %dma_wait3A_69, %dma_wait3A_70] : memref<32x80x128xi32, #tpu.memory_space<hbm>> -> memref<1x80x128xi32, #tpu.memory_space<hbm>>
      %dma_wait3A_72 = tpu.memref_squeeze %dma_wait3A_71 : memref<1x80x128xi32, #tpu.memory_space<hbm>> -> memref<80x128xi32, #tpu.memory_space<hbm>>
      tpu.wait_dma2 semaphore(%run_scoped3A : memref<!tpu.dma_semaphore, #tpu.memory_space<semaphore_mem>>) src(%dma_wait3A_72 : memref<80x128xi32, #tpu.memory_space<hbm>>) dst(%arg7 : memref<80x128xi32, #tpu.memory_space<vmem>>)
      tpu.yield
    }) : () -> ()
    %barrier3A = arith.constant 0 : index
    tpu.barrier barrier_id(%barrier3A)
    %dma_start3A = arith.constant 0 : i32
    %dma_start3A_21 = arith.constant 0 : i32
    %dma_start3A_22 = tpu.memref_slice %arg7[%dma_start3A, %dma_start3A_21] : memref<80x128xi32, #tpu.memory_space<vmem>> -> memref<1x128xi32, #tpu.memory_space<vmem>>
    %dma_start3A_23 = tpu.memref_squeeze %dma_start3A_22 : memref<1x128xi32, #tpu.memory_space<vmem>> -> memref<128xi32, #tpu.memory_space<vmem>>
    %dma_start3A_24 = arith.constant 0 : i32
    %dma_start3A_25 = arith.constant 0 : i32
    %dma_start3A_26 = tpu.memref_slice %arg2[%dma_start3A_24, %dma_start3A_25] : memref<10000x128xf32, #tpu.memory_space<hbm>> -> memref<10000x128xf32, #tpu.memory_space<hbm>>
    tpu.enqueue_indirect_dma source(%dma_start3A_26 : memref<10000x128xf32, #tpu.memory_space<hbm>>) target(%arg10 : memref<128x128xf32, #tpu.memory_space<vmem>>) offsets(%dma_start3A_23 : memref<128xi32, #tpu.memory_space<vmem>>) semaphore(%arg13 : memref<!tpu.dma_semaphore, #tpu.memory_space<semaphore_mem>>)
    %dma_start3A_27 = arith.constant 1 : i32
    %dma_start3A_28 = arith.constant 0 : i32
    %dma_start3A_29 = tpu.memref_slice %arg7[%dma_start3A_27, %dma_start3A_28] : memref<80x128xi32, #tpu.memory_space<vmem>> -> memref<1x128xi32, #tpu.memory_space<vmem>>
    %dma_start3A_30 = tpu.memref_squeeze %dma_start3A_29 : memref<1x128xi32, #tpu.memory_space<vmem>> -> memref<128xi32, #tpu.memory_space<vmem>>
    %dma_start3A_31 = arith.constant 0 : i32
    %dma_start3A_32 = arith.constant 0 : i32
    %dma_start3A_33 = tpu.memref_slice %arg2[%dma_start3A_31, %dma_start3A_32] : memref<10000x128xf32, #tpu.memory_space<hbm>> -> memref<10000x128xf32, #tpu.memory_space<hbm>>
    tpu.enqueue_indirect_dma source(%dma_start3A_33 : memref<10000x128xf32, #tpu.memory_space<hbm>>) target(%arg11 : memref<128x128xf32, #tpu.memory_space<vmem>>) offsets(%dma_start3A_30 : memref<128xi32, #tpu.memory_space<vmem>>) semaphore(%arg14 : memref<!tpu.dma_semaphore, #tpu.memory_space<semaphore_mem>>)
    %dma_start3A_34 = arith.constant 0 : i32
    %dma_start3A_35 = arith.constant 0 : i32
    %dma_start3A_36 = tpu.memref_slice %arg3[%add3A, %dma_start3A_34, %dma_start3A_35] : memref<32x80x128xi32, #tpu.memory_space<hbm>> -> memref<1x1x128xi32, #tpu.memory_space<hbm>>
    %dma_start3A_37 = tpu.memref_squeeze %dma_start3A_36 : memref<1x1x128xi32, #tpu.memory_space<hbm>> -> memref<128xi32, #tpu.memory_space<hbm>>
    %dma_start3A_38 = arith.constant 0 : i32
    %dma_start3A_39 = tpu.memref_slice %arg3[%add3A, %dma_start3A_34, %dma_start3A_38] : memref<32x80x128xi32, #tpu.memory_space<hbm>> -> memref<1x1x128xi32, #tpu.memory_space<hbm>>
    %dma_start3A_40 = tpu.memref_squeeze %dma_start3A_39 : memref<1x1x128xi32, #tpu.memory_space<hbm>> -> memref<128xi32, #tpu.memory_space<hbm>>
    tpu.enqueue_dma source(%dma_start3A_40 : memref<128xi32, #tpu.memory_space<hbm>>) target(%arg8 : memref<128xi32, #tpu.memory_space<vmem>>) target_semaphore(%arg15 : memref<!tpu.dma_semaphore, #tpu.memory_space<semaphore_mem>>)
    %dma_start3A_41 = arith.constant 1 : i32
    %dma_start3A_42 = arith.constant 0 : i32
    %dma_start3A_43 = tpu.memref_slice %arg3[%add3A, %dma_start3A_41, %dma_start3A_42] : memref<32x80x128xi32, #tpu.memory_space<hbm>> -> memref<1x1x128xi32, #tpu.memory_space<hbm>>
    %dma_start3A_44 = tpu.memref_squeeze %dma_start3A_43 : memref<1x1x128xi32, #tpu.memory_space<hbm>> -> memref<128xi32, #tpu.memory_space<hbm>>
    %dma_start3A_45 = arith.constant 0 : i32
    %dma_start3A_46 = tpu.memref_slice %arg3[%add3A, %dma_start3A_41, %dma_start3A_45] : memref<32x80x128xi32, #tpu.memory_space<hbm>> -> memref<1x1x128xi32, #tpu.memory_space<hbm>>
    %dma_start3A_47 = tpu.memref_squeeze %dma_start3A_46 : memref<1x1x128xi32, #tpu.memory_space<hbm>> -> memref<128xi32, #tpu.memory_space<hbm>>
    tpu.enqueue_dma source(%dma_start3A_47 : memref<128xi32, #tpu.memory_space<hbm>>) target(%arg9 : memref<128xi32, #tpu.memory_space<vmem>>) target_semaphore(%arg16 : memref<!tpu.dma_semaphore, #tpu.memory_space<semaphore_mem>>)
    %scan3A = arith.constant 0 : i32
    %scan3A_48 = arith.constant 0 : i32
    %scan3A_49 = arith.constant 40 : i32
    %scan3A_50 = arith.addi %scan3A_48, %scan3A_49 : i32
    %scan3A_51 = arith.constant 1 : i32
    scf.for %scan3A_58 = %scan3A_48 to %scan3A_50 step %scan3A_51  : i32 {
      %mul3A_59 = arith.constant 2 : i32
      %mul3A_60 = arith.muli %scan3A_58, %mul3A_59 : i32
      %dma_wait3A = arith.constant 0 : i32
      %dma_wait3A_61 = tpu.memref_slice %arg7[%mul3A_60, %dma_wait3A] : memref<80x128xi32, #tpu.memory_space<vmem>> -> memref<1x128xi32, #tpu.memory_space<vmem>>
      %dma_wait3A_62 = tpu.memref_squeeze %dma_wait3A_61 : memref<1x128xi32, #tpu.memory_space<vmem>> -> memref<128xi32, #tpu.memory_space<vmem>>
      %dma_wait3A_63 = arith.constant 0 : i32
      %dma_wait3A_64 = arith.constant 0 : i32
      %dma_wait3A_65 = tpu.memref_slice %arg2[%dma_wait3A_63, %dma_wait3A_64] : memref<10000x128xf32, #tpu.memory_space<hbm>> -> memref<10000x128xf32, #tpu.memory_space<hbm>>
      tpu.wait_indirect_dma semaphore(%arg13 : memref<!tpu.dma_semaphore, #tpu.memory_space<semaphore_mem>>) src(%dma_wait3A_65 : memref<10000x128xf32, #tpu.memory_space<hbm>>) dst(%arg10 : memref<128x128xf32, #tpu.memory_space<vmem>>)
      %dma_wait3A_66 = arith.constant 0 : i32
      %dma_wait3A_67 = tpu.memref_slice %arg3[%add3A, %mul3A_60, %dma_wait3A_66] : memref<32x80x128xi32, #tpu.memory_space<hbm>> -> memref<1x1x128xi32, #tpu.memory_space<hbm>>
      %dma_wait3A_68 = tpu.memref_squeeze %dma_wait3A_67 : memref<1x1x128xi32, #tpu.memory_space<hbm>> -> memref<128xi32, #tpu.memory_space<hbm>>
      %dma_wait3A_69 = arith.constant 0 : i32
      %dma_wait3A_70 = tpu.memref_slice %arg3[%add3A, %mul3A_60, %dma_wait3A_69] : memref<32x80x128xi32, #tpu.memory_space<hbm>> -> memref<1x1x128xi32, #tpu.memory_space<hbm>>
      %dma_wait3A_71 = tpu.memref_squeeze %dma_wait3A_70 : memref<1x1x128xi32, #tpu.memory_space<hbm>> -> memref<128xi32, #tpu.memory_space<hbm>>
      tpu.wait_dma2 semaphore(%arg15 : memref<!tpu.dma_semaphore, #tpu.memory_space<semaphore_mem>>) src(%dma_wait3A_71 : memref<128xi32, #tpu.memory_space<hbm>>) dst(%arg8 : memref<128xi32, #tpu.memory_space<vmem>>)
      "tpu.region"() ({
        %run_scoped3A = tpu.sem_alloc : memref<!tpu.dma_semaphore, #tpu.memory_space<semaphore_mem>>
        %dma_start3A_99 = arith.constant 0 : i32
        %dma_start3A_100 = arith.constant 0 : i32
        %dma_start3A_101 = tpu.memref_slice %arg12[%dma_start3A_99, %dma_start3A_100] : memref<10240x128xf32, #tpu.memory_space<vmem_shared>> -> memref<10240x128xf32, #tpu.memory_space<vmem_shared>>
        tpu.enqueue_indirect_dma source(%arg10 : memref<128x128xf32, #tpu.memory_space<vmem>>) target(%dma_start3A_101 : memref<10240x128xf32, #tpu.memory_space<vmem_shared>>) offsets(%arg8 : memref<128xi32, #tpu.memory_space<vmem>>) semaphore(%run_scoped3A : memref<!tpu.dma_semaphore, #tpu.memory_space<semaphore_mem>>) {add = true}
        %dma_wait3A_102 = arith.constant 0 : i32
        %dma_wait3A_103 = arith.constant 0 : i32
        %dma_wait3A_104 = tpu.memref_slice %arg12[%dma_wait3A_102, %dma_wait3A_103] : memref<10240x128xf32, #tpu.memory_space<vmem_shared>> -> memref<10240x128xf32, #tpu.memory_space<vmem_shared>>
        tpu.wait_indirect_dma semaphore(%run_scoped3A : memref<!tpu.dma_semaphore, #tpu.memory_space<semaphore_mem>>) src(%arg10 : memref<128x128xf32, #tpu.memory_space<vmem>>) dst(%dma_wait3A_104 : memref<10240x128xf32, #tpu.memory_space<vmem_shared>>)
        tpu.yield
      }) : () -> ()
      %add3A_72 = arith.constant 2 : i32
      %add3A_73 = arith.addi %mul3A_60, %add3A_72 : i32
      %lt3A = arith.constant 80 : i32
      %lt3A_74 = arith.cmpi slt, %add3A_73, %lt3A : i32
      %convert_element_type3A = arith.extui %lt3A_74 : i1 to i32
      %cond3A = arith.constant 0 : i32
      %cond3A_75 = arith.cmpi ne, %convert_element_type3A, %cond3A : i32
      scf.if %cond3A_75 {
        %add3A_99 = arith.constant 2 : i32
        %add3A_100 = arith.addi %mul3A_60, %add3A_99 : i32
        %dma_start3A_101 = arith.constant 0 : i32
        %dma_start3A_102 = tpu.memref_slice %arg7[%add3A_100, %dma_start3A_101] : memref<80x128xi32, #tpu.memory_space<vmem>> -> memref<1x128xi32, #tpu.memory_space<vmem>>
        %dma_start3A_103 = tpu.memref_squeeze %dma_start3A_102 : memref<1x128xi32, #tpu.memory_space<vmem>> -> memref<128xi32, #tpu.memory_space<vmem>>
        %dma_start3A_104 = arith.constant 0 : i32
        %dma_start3A_105 = arith.constant 0 : i32
        %dma_start3A_106 = tpu.memref_slice %arg2[%dma_start3A_104, %dma_start3A_105] : memref<10000x128xf32, #tpu.memory_space<hbm>> -> memref<10000x128xf32, #tpu.memory_space<hbm>>
        tpu.enqueue_indirect_dma source(%dma_start3A_106 : memref<10000x128xf32, #tpu.memory_space<hbm>>) target(%arg10 : memref<128x128xf32, #tpu.memory_space<vmem>>) offsets(%dma_start3A_103 : memref<128xi32, #tpu.memory_space<vmem>>) semaphore(%arg13 : memref<!tpu.dma_semaphore, #tpu.memory_space<semaphore_mem>>)
        %add3A_107 = arith.constant 2 : i32
        %add3A_108 = arith.addi %mul3A_60, %add3A_107 : i32
        %dma_start3A_109 = arith.constant 0 : i32
        %dma_start3A_110 = tpu.memref_slice %arg3[%add3A, %add3A_108, %dma_start3A_109] : memref<32x80x128xi32, #tpu.memory_space<hbm>> -> memref<1x1x128xi32, #tpu.memory_space<hbm>>
        %dma_start3A_111 = tpu.memref_squeeze %dma_start3A_110 : memref<1x1x128xi32, #tpu.memory_space<hbm>> -> memref<128xi32, #tpu.memory_space<hbm>>
        %dma_start3A_112 = arith.constant 0 : i32
        %dma_start3A_113 = tpu.memref_slice %arg3[%add3A, %add3A_108, %dma_start3A_112] : memref<32x80x128xi32, #tpu.memory_space<hbm>> -> memref<1x1x128xi32, #tpu.memory_space<hbm>>
        %dma_start3A_114 = tpu.memref_squeeze %dma_start3A_113 : memref<1x1x128xi32, #tpu.memory_space<hbm>> -> memref<128xi32, #tpu.memory_space<hbm>>
        tpu.enqueue_dma source(%dma_start3A_114 : memref<128xi32, #tpu.memory_space<hbm>>) target(%arg8 : memref<128xi32, #tpu.memory_space<vmem>>) target_semaphore(%arg15 : memref<!tpu.dma_semaphore, #tpu.memory_space<semaphore_mem>>)
      } else {
      }
      %add3A_76 = arith.constant 1 : i32
      %add3A_77 = arith.addi %mul3A_60, %add3A_76 : i32
      %dma_wait3A_78 = arith.constant 0 : i32
      %dma_wait3A_79 = tpu.memref_slice %arg7[%add3A_77, %dma_wait3A_78] : memref<80x128xi32, #tpu.memory_space<vmem>> -> memref<1x128xi32, #tpu.memory_space<vmem>>
      %dma_wait3A_80 = tpu.memref_squeeze %dma_wait3A_79 : memref<1x128xi32, #tpu.memory_space<vmem>> -> memref<128xi32, #tpu.memory_space<vmem>>
      %dma_wait3A_81 = arith.constant 0 : i32
      %dma_wait3A_82 = arith.constant 0 : i32
      %dma_wait3A_83 = tpu.memref_slice %arg2[%dma_wait3A_81, %dma_wait3A_82] : memref<10000x128xf32, #tpu.memory_space<hbm>> -> memref<10000x128xf32, #tpu.memory_space<hbm>>
      tpu.wait_indirect_dma semaphore(%arg14 : memref<!tpu.dma_semaphore, #tpu.memory_space<semaphore_mem>>) src(%dma_wait3A_83 : memref<10000x128xf32, #tpu.memory_space<hbm>>) dst(%arg11 : memref<128x128xf32, #tpu.memory_space<vmem>>)
      %add3A_84 = arith.constant 1 : i32
      %add3A_85 = arith.addi %mul3A_60, %add3A_84 : i32
      %dma_wait3A_86 = arith.constant 0 : i32
      %dma_wait3A_87 = tpu.memref_slice %arg3[%add3A, %add3A_85, %dma_wait3A_86] : memref<32x80x128xi32, #tpu.memory_space<hbm>> -> memref<1x1x128xi32, #tpu.memory_space<hbm>>
      %dma_wait3A_88 = tpu.memref_squeeze %dma_wait3A_87 : memref<1x1x128xi32, #tpu.memory_space<hbm>> -> memref<128xi32, #tpu.memory_space<hbm>>
      %dma_wait3A_89 = arith.constant 0 : i32
      %dma_wait3A_90 = tpu.memref_slice %arg3[%add3A, %add3A_85, %dma_wait3A_89] : memref<32x80x128xi32, #tpu.memory_space<hbm>> -> memref<1x1x128xi32, #tpu.memory_space<hbm>>
      %dma_wait3A_91 = tpu.memref_squeeze %dma_wait3A_90 : memref<1x1x128xi32, #tpu.memory_space<hbm>> -> memref<128xi32, #tpu.memory_space<hbm>>
      tpu.wait_dma2 semaphore(%arg16 : memref<!tpu.dma_semaphore, #tpu.memory_space<semaphore_mem>>) src(%dma_wait3A_91 : memref<128xi32, #tpu.memory_space<hbm>>) dst(%arg9 : memref<128xi32, #tpu.memory_space<vmem>>)
      "tpu.region"() ({
        %run_scoped3A = tpu.sem_alloc : memref<!tpu.dma_semaphore, #tpu.memory_space<semaphore_mem>>
        %dma_start3A_99 = arith.constant 0 : i32
        %dma_start3A_100 = arith.constant 0 : i32
        %dma_start3A_101 = tpu.memref_slice %arg12[%dma_start3A_99, %dma_start3A_100] : memref<10240x128xf32, #tpu.memory_space<vmem_shared>> -> memref<10240x128xf32, #tpu.memory_space<vmem_shared>>
        tpu.enqueue_indirect_dma source(%arg11 : memref<128x128xf32, #tpu.memory_space<vmem>>) target(%dma_start3A_101 : memref<10240x128xf32, #tpu.memory_space<vmem_shared>>) offsets(%arg9 : memref<128xi32, #tpu.memory_space<vmem>>) semaphore(%run_scoped3A : memref<!tpu.dma_semaphore, #tpu.memory_space<semaphore_mem>>) {add = true}
        %dma_wait3A_102 = arith.constant 0 : i32
        %dma_wait3A_103 = arith.constant 0 : i32
        %dma_wait3A_104 = tpu.memref_slice %arg12[%dma_wait3A_102, %dma_wait3A_103] : memref<10240x128xf32, #tpu.memory_space<vmem_shared>> -> memref<10240x128xf32, #tpu.memory_space<vmem_shared>>
        tpu.wait_indirect_dma semaphore(%run_scoped3A : memref<!tpu.dma_semaphore, #tpu.memory_space<semaphore_mem>>) src(%arg11 : memref<128x128xf32, #tpu.memory_space<vmem>>) dst(%dma_wait3A_104 : memref<10240x128xf32, #tpu.memory_space<vmem_shared>>)
        tpu.yield
      }) : () -> ()
      %add3A_92 = arith.constant 3 : i32
      %add3A_93 = arith.addi %mul3A_60, %add3A_92 : i32
      %lt3A_94 = arith.constant 80 : i32
      %lt3A_95 = arith.cmpi slt, %add3A_93, %lt3A_94 : i32
      %convert_element_type3A_96 = arith.extui %lt3A_95 : i1 to i32
      %cond3A_97 = arith.constant 0 : i32
      %cond3A_98 = arith.cmpi ne, %convert_element_type3A_96, %cond3A_97 : i32
      scf.if %cond3A_98 {
        %add3A_99 = arith.constant 3 : i32
        %add3A_100 = arith.addi %mul3A_60, %add3A_99 : i32
        %dma_start3A_101 = arith.constant 0 : i32
        %dma_start3A_102 = tpu.memref_slice %arg7[%add3A_100, %dma_start3A_101] : memref<80x128xi32, #tpu.memory_space<vmem>> -> memref<1x128xi32, #tpu.memory_space<vmem>>
        %dma_start3A_103 = tpu.memref_squeeze %dma_start3A_102 : memref<1x128xi32, #tpu.memory_space<vmem>> -> memref<128xi32, #tpu.memory_space<vmem>>
        %dma_start3A_104 = arith.constant 0 : i32
        %dma_start3A_105 = arith.constant 0 : i32
        %dma_start3A_106 = tpu.memref_slice %arg2[%dma_start3A_104, %dma_start3A_105] : memref<10000x128xf32, #tpu.memory_space<hbm>> -> memref<10000x128xf32, #tpu.memory_space<hbm>>
        tpu.enqueue_indirect_dma source(%dma_start3A_106 : memref<10000x128xf32, #tpu.memory_space<hbm>>) target(%arg11 : memref<128x128xf32, #tpu.memory_space<vmem>>) offsets(%dma_start3A_103 : memref<128xi32, #tpu.memory_space<vmem>>) semaphore(%arg14 : memref<!tpu.dma_semaphore, #tpu.memory_space<semaphore_mem>>)
        %add3A_107 = arith.constant 3 : i32
        %add3A_108 = arith.addi %mul3A_60, %add3A_107 : i32
        %dma_start3A_109 = arith.constant 0 : i32
        %dma_start3A_110 = tpu.memref_slice %arg3[%add3A, %add3A_108, %dma_start3A_109] : memref<32x80x128xi32, #tpu.memory_space<hbm>> -> memref<1x1x128xi32, #tpu.memory_space<hbm>>
        %dma_start3A_111 = tpu.memref_squeeze %dma_start3A_110 : memref<1x1x128xi32, #tpu.memory_space<hbm>> -> memref<128xi32, #tpu.memory_space<hbm>>
        %dma_start3A_112 = arith.constant 0 : i32
        %dma_start3A_113 = tpu.memref_slice %arg3[%add3A, %add3A_108, %dma_start3A_112] : memref<32x80x128xi32, #tpu.memory_space<hbm>> -> memref<1x1x128xi32, #tpu.memory_space<hbm>>
        %dma_start3A_114 = tpu.memref_squeeze %dma_start3A_113 : memref<1x1x128xi32, #tpu.memory_space<hbm>> -> memref<128xi32, #tpu.memory_space<hbm>>
        tpu.enqueue_dma source(%dma_start3A_114 : memref<128xi32, #tpu.memory_space<hbm>>) target(%arg9 : memref<128xi32, #tpu.memory_space<vmem>>) target_semaphore(%arg16 : memref<!tpu.dma_semaphore, #tpu.memory_space<semaphore_mem>>)
      } else {
      }
    }
    %scan3A_52 = arith.constant 40 : i32
    %barrier3A_53 = arith.constant 0 : index
    tpu.barrier barrier_id(%barrier3A_53)
    %mul3A_54 = arith.constant 640 : i32
    %mul3A_55 = arith.muli %arg1, %mul3A_54 : i32
    %mul3A_56 = arith.constant 640 : i32
    %mul3A_57 = arith.muli %arg1, %mul3A_56 : i32
    "tpu.region"() ({
      %run_scoped3A = tpu.sem_alloc : memref<!tpu.dma_semaphore, #tpu.memory_space<semaphore_mem>>
      %dma_start3A_58 = arith.constant 0 : i32
      %dma_start3A_59 = tpu.memref_slice %arg6[%arg0, %mul3A_57, %dma_start3A_58] : memref<2x10240x128xf32, #tpu.memory_space<hbm>> -> memref<1x640x128xf32, #tpu.memory_space<hbm>>
      %dma_start3A_60 = tpu.memref_squeeze %dma_start3A_59 : memref<1x640x128xf32, #tpu.memory_space<hbm>> -> memref<640x128xf32, #tpu.memory_space<hbm>>
      %dma_start3A_61 = arith.constant 0 : i32
      %dma_start3A_62 = tpu.memref_slice %arg12[%mul3A_55, %dma_start3A_61] : memref<10240x128xf32, #tpu.memory_space<vmem_shared>> -> memref<640x128xf32, #tpu.memory_space<vmem_shared>>
      tpu.enqueue_dma source(%dma_start3A_62 : memref<640x128xf32, #tpu.memory_space<vmem_shared>>) target(%dma_start3A_60 : memref<640x128xf32, #tpu.memory_space<hbm>>) target_semaphore(%run_scoped3A : memref<!tpu.dma_semaphore, #tpu.memory_space<semaphore_mem>>)
      %dma_wait3A = arith.constant 0 : i32
      %dma_wait3A_63 = tpu.memref_slice %arg6[%arg0, %mul3A_57, %dma_wait3A] : memref<2x10240x128xf32, #tpu.memory_space<hbm>> -> memref<1x640x128xf32, #tpu.memory_space<hbm>>
      %dma_wait3A_64 = tpu.memref_squeeze %dma_wait3A_63 : memref<1x640x128xf32, #tpu.memory_space<hbm>> -> memref<640x128xf32, #tpu.memory_space<hbm>>
      %dma_wait3A_65 = arith.constant 0 : i32
      %dma_wait3A_66 = tpu.memref_slice %arg12[%mul3A_55, %dma_wait3A_65] : memref<10240x128xf32, #tpu.memory_space<vmem_shared>> -> memref<640x128xf32, #tpu.memory_space<vmem_shared>>
      tpu.wait_dma2 semaphore(%run_scoped3A : memref<!tpu.dma_semaphore, #tpu.memory_space<semaphore_mem>>) src(%dma_wait3A_66 : memref<640x128xf32, #tpu.memory_space<vmem_shared>>) dst(%dma_wait3A_64 : memref<640x128xf32, #tpu.memory_space<hbm>>)
      tpu.yield
    }) : () -> ()
    return
  }
}

module attributes {stable_mosaic.version = 14 : i64} {
  func.func @_mm_body(%arg0: i32, %arg1: memref<2x2000x128xf32, #tpu.memory_space<vmem>>, %arg2: memref<2000x128xf32, #tpu.memory_space<vmem>>, %arg3: memref<128x128xf32, #tpu.memory_space<vmem>>, %arg4: memref<2000x128xf32, #tpu.memory_space<vmem>>) attributes {dimension_semantics = [#tpu.dimension_semantics<arbitrary>], iteration_bounds = array<i64: 5>, scalar_prefetch = 0 : i64, scratch_operands = 0 : i64, tpu.core_type = #tpu.core_type<tc>, window_params = [{transform_indices = @transform_0, window_bounds = array<i64: 2, 2000, 128>}, {transform_indices = @transform_1, window_bounds = array<i64: 2000, 128>}, {pipeline_mode = #tpu.pipeline_mode<synchronous>, transform_indices = @transform_2, window_bounds = array<i64: 128, 128>}, {transform_indices = @transform_3, window_bounds = array<i64: 2000, 128>}]} {
    %get3A = arith.constant 0 : index
    %get3A_0 = arith.constant 0 : index
    %get3A_1 = vector.load %arg2[%get3A, %get3A_0] : memref<2000x128xf32, #tpu.memory_space<vmem>>, vector<2000x128xf32>
    %get3A_2 = arith.constant 0 : index
    %get3A_3 = arith.constant 0 : index
    %get3A_4 = vector.load %arg3[%get3A_2, %get3A_3] : memref<128x128xf32, #tpu.memory_space<vmem>>, vector<128x128xf32>
    %dot_general3A = arith.constant dense<0.000000e+00> : vector<2000x128xf32>
    %dot_general3A_5 = tpu.matmul %get3A_1, %get3A_4, %dot_general3A {dimension_numbers = #tpu.dot_dimension_numbers<[1], [1], [0], [0], [0, 0, 1, 0], [], []>, transpose_lhs_hint = false} : vector<2000x128xf32>, vector<128x128xf32>, vector<2000x128xf32> -> vector<2000x128xf32>
    %get3A_6 = arith.constant 0 : index
    %get3A_7 = arith.constant 0 : index
    %get3A_8 = arith.constant 0 : index
    %get3A_9 = vector.load %arg1[%get3A_6, %get3A_7, %get3A_8] : memref<2x2000x128xf32, #tpu.memory_space<vmem>>, vector<1x2000x1xf32>
    %get3A_10 = vector.shape_cast %get3A_9 : vector<1x2000x1xf32> to vector<2000x1xf32>
    %get3A_11 = arith.constant 1 : index
    %get3A_12 = arith.constant 0 : index
    %get3A_13 = arith.constant 0 : index
    %get3A_14 = vector.load %arg1[%get3A_11, %get3A_12, %get3A_13] : memref<2x2000x128xf32, #tpu.memory_space<vmem>>, vector<1x2000x1xf32>
    %get3A_15 = vector.shape_cast %get3A_14 : vector<1x2000x1xf32> to vector<2000x1xf32>
    %add3A = arith.addf %get3A_10, %get3A_15 : vector<2000x1xf32>
    %add3A_16 = arith.constant 1.000000e+00 : f32
    %add3A_17 = vector.broadcast %add3A_16 : f32 to vector<2000x1xf32>
    %add3A_18 = arith.addf %add3A, %add3A_17 : vector<2000x1xf32>
    %rsqrt3A = math.rsqrt %add3A_18 : vector<2000x1xf32>
    %mul3A = vector.broadcast %rsqrt3A : vector<2000x1xf32> to vector<2000x128xf32>
    %mul3A_19 = arith.mulf %dot_general3A_5, %mul3A : vector<2000x128xf32>
    %swap3A = arith.constant 0 : index
    %swap3A_20 = arith.constant 0 : index
    %swap3A_21 = vector.load %arg4[%swap3A, %swap3A_20] : memref<2000x128xf32, #tpu.memory_space<vmem>>, vector<2000x128xf32>
    tpu.vector_store %arg4[%swap3A, %swap3A_20], %mul3A_19 {strides = array<i32>} : memref<2000x128xf32, #tpu.memory_space<vmem>>, vector<2000x128xf32>,
    return
  }
  func.func @transform_0(%arg0: i32) -> (i32, i32, i32) {
    %c0_i32 = arith.constant 0 : i32
    %c0_i32_0 = arith.constant 0 : i32
    %c0_i32_1 = arith.constant 0 : i32
    return %c0_i32, %arg0, %c0_i32_0 : i32, i32, i32
  }
  func.func @transform_1(%arg0: i32) -> (i32, i32) {
    %c0_i32 = arith.constant 0 : i32
    %c0_i32_0 = arith.constant 0 : i32
    return %arg0, %c0_i32 : i32, i32
  }
  func.func @transform_2(%arg0: i32) -> (i32, i32) {
    %c0_i32 = arith.constant 0 : i32
    %c0_i32_0 = arith.constant 0 : i32
    %c0_i32_1 = arith.constant 0 : i32
    return %c0_i32, %c0_i32_0 : i32, i32
  }
  func.func @transform_3(%arg0: i32) -> (i32, i32) {
    %c0_i32 = arith.constant 0 : i32
    %c0_i32_0 = arith.constant 0 : i32
    return %arg0, %c0_i32 : i32, i32
  }
}

module attributes {stable_mosaic.version = 14 : i64} {
  func.func @_mid_body(%arg0: i32, %arg1: memref<2x2000x128xf32, #tpu.memory_space<vmem>>, %arg2: memref<2x2000x128xf32, #tpu.memory_space<vmem>>, %arg3: memref<2000x128xf32, #tpu.memory_space<vmem>>, %arg4: memref<2000x128xf32, #tpu.memory_space<vmem>>) attributes {dimension_semantics = [#tpu.dimension_semantics<arbitrary>], iteration_bounds = array<i64: 5>, scalar_prefetch = 0 : i64, scratch_operands = 0 : i64, tpu.core_type = #tpu.core_type<tc>, window_params = [{transform_indices = @transform_0, window_bounds = array<i64: 2, 2000, 128>}, {transform_indices = @transform_1, window_bounds = array<i64: 2, 2000, 128>}, {transform_indices = @transform_2, window_bounds = array<i64: 2000, 128>}, {transform_indices = @transform_3, window_bounds = array<i64: 2000, 128>}]} {
    %get3A = arith.constant 0 : index
    %get3A_0 = arith.constant 0 : index
    %get3A_1 = arith.constant 0 : index
    %get3A_2 = vector.load %arg2[%get3A, %get3A_0, %get3A_1] : memref<2x2000x128xf32, #tpu.memory_space<vmem>>, vector<1x2000x128xf32>
    %get3A_3 = vector.shape_cast %get3A_2 : vector<1x2000x128xf32> to vector<2000x128xf32>
    %get3A_4 = arith.constant 1 : index
    %get3A_5 = arith.constant 0 : index
    %get3A_6 = arith.constant 0 : index
    %get3A_7 = vector.load %arg2[%get3A_4, %get3A_5, %get3A_6] : memref<2x2000x128xf32, #tpu.memory_space<vmem>>, vector<1x2000x128xf32>
    %get3A_8 = vector.shape_cast %get3A_7 : vector<1x2000x128xf32> to vector<2000x128xf32>
    %add3A = arith.addf %get3A_3, %get3A_8 : vector<2000x128xf32>
    %get3A_9 = arith.constant 0 : index
    %get3A_10 = arith.constant 0 : index
    %get3A_11 = vector.load %arg3[%get3A_9, %get3A_10] : memref<2000x128xf32, #tpu.memory_space<vmem>>, vector<2000x128xf32>
    %add3A_12 = arith.addf %add3A, %get3A_11 : vector<2000x128xf32>
    %get3A_13 = arith.constant 0 : index
    %get3A_14 = arith.constant 0 : index
    %get3A_15 = arith.constant 0 : index
    %get3A_16 = vector.load %arg1[%get3A_13, %get3A_14, %get3A_15] : memref<2x2000x128xf32, #tpu.memory_space<vmem>>, vector<1x2000x1xf32>
    %get3A_17 = vector.shape_cast %get3A_16 : vector<1x2000x1xf32> to vector<2000x1xf32>
    %get3A_18 = arith.constant 1 : index
    %get3A_19 = arith.constant 0 : index
    %get3A_20 = arith.constant 0 : index
    %get3A_21 = vector.load %arg1[%get3A_18, %get3A_19, %get3A_20] : memref<2x2000x128xf32, #tpu.memory_space<vmem>>, vector<1x2000x1xf32>
    %get3A_22 = vector.shape_cast %get3A_21 : vector<1x2000x1xf32> to vector<2000x1xf32>
    %add3A_23 = arith.addf %get3A_17, %get3A_22 : vector<2000x1xf32>
    %add3A_24 = arith.constant 1.000000e+00 : f32
    %add3A_25 = vector.broadcast %add3A_24 : f32 to vector<2000x1xf32>
    %add3A_26 = arith.addf %add3A_23, %add3A_25 : vector<2000x1xf32>
    %div3A = vector.broadcast %add3A_26 : vector<2000x1xf32> to vector<2000x128xf32>
    %div3A_27 = arith.divf %add3A_12, %div3A : vector<2000x128xf32>
    %swap3A = arith.constant 0 : index
    %swap3A_28 = arith.constant 0 : index
    %swap3A_29 = vector.load %arg4[%swap3A, %swap3A_28] : memref<2000x128xf32, #tpu.memory_space<vmem>>, vector<2000x128xf32>
    tpu.vector_store %arg4[%swap3A, %swap3A_28], %div3A_27 {strides = array<i32>} : memref<2000x128xf32, #tpu.memory_space<vmem>>, vector<2000x128xf32>,
    return
  }
  func.func @transform_0(%arg0: i32) -> (i32, i32, i32) {
    %c0_i32 = arith.constant 0 : i32
    %c0_i32_0 = arith.constant 0 : i32
    %c0_i32_1 = arith.constant 0 : i32
    return %c0_i32, %arg0, %c0_i32_0 : i32, i32, i32
  }
  func.func @transform_1(%arg0: i32) -> (i32, i32, i32) {
    %c0_i32 = arith.constant 0 : i32
    %c0_i32_0 = arith.constant 0 : i32
    %c0_i32_1 = arith.constant 0 : i32
    return %c0_i32, %arg0, %c0_i32_0 : i32, i32, i32
  }
  func.func @transform_2(%arg0: i32) -> (i32, i32) {
    %c0_i32 = arith.constant 0 : i32
    %c0_i32_0 = arith.constant 0 : i32
    return %arg0, %c0_i32 : i32, i32
  }
  func.func @transform_3(%arg0: i32) -> (i32, i32) {
    %c0_i32 = arith.constant 0 : i32
    %c0_i32_0 = arith.constant 0 : i32
    return %arg0, %c0_i32 : i32, i32
  }
}

module attributes {stable_mosaic.version = 14 : i64} {
  func.func @_final_body(%arg0: i32, %arg1: memref<2x2000x128xf32, #tpu.memory_space<vmem>>, %arg2: memref<2x2000x128xf32, #tpu.memory_space<vmem>>, %arg3: memref<2000x128xf32, #tpu.memory_space<vmem>>, %arg4: memref<1x128xf32, #tpu.memory_space<vmem>>, %arg5: memref<2000x128xf32, #tpu.memory_space<vmem>>) attributes {dimension_semantics = [#tpu.dimension_semantics<arbitrary>], iteration_bounds = array<i64: 5>, scalar_prefetch = 0 : i64, scratch_operands = 0 : i64, tpu.core_type = #tpu.core_type<tc>, window_params = [{transform_indices = @transform_0, window_bounds = array<i64: 2, 2000, 128>}, {transform_indices = @transform_1, window_bounds = array<i64: 2, 2000, 128>}, {transform_indices = @transform_2, window_bounds = array<i64: 2000, 128>}, {pipeline_mode = #tpu.pipeline_mode<synchronous>, transform_indices = @transform_3, window_bounds = array<i64: 1, 128>}, {transform_indices = @transform_4, window_bounds = array<i64: 2000, 128>}]} {
    %get3A = arith.constant 0 : index
    %get3A_0 = arith.constant 0 : index
    %get3A_1 = arith.constant 0 : index
    %get3A_2 = vector.load %arg2[%get3A, %get3A_0, %get3A_1] : memref<2x2000x128xf32, #tpu.memory_space<vmem>>, vector<1x2000x128xf32>
    %get3A_3 = vector.shape_cast %get3A_2 : vector<1x2000x128xf32> to vector<2000x128xf32>
    %get3A_4 = arith.constant 1 : index
    %get3A_5 = arith.constant 0 : index
    %get3A_6 = arith.constant 0 : index
    %get3A_7 = vector.load %arg2[%get3A_4, %get3A_5, %get3A_6] : memref<2x2000x128xf32, #tpu.memory_space<vmem>>, vector<1x2000x128xf32>
    %get3A_8 = vector.shape_cast %get3A_7 : vector<1x2000x128xf32> to vector<2000x128xf32>
    %add3A = arith.addf %get3A_3, %get3A_8 : vector<2000x128xf32>
    %get3A_9 = arith.constant 0 : index
    %get3A_10 = arith.constant 0 : index
    %get3A_11 = vector.load %arg3[%get3A_9, %get3A_10] : memref<2000x128xf32, #tpu.memory_space<vmem>>, vector<2000x128xf32>
    %add3A_12 = arith.addf %add3A, %get3A_11 : vector<2000x128xf32>
    %get3A_13 = arith.constant 0 : index
    %get3A_14 = arith.constant 0 : index
    %get3A_15 = arith.constant 0 : index
    %get3A_16 = vector.load %arg1[%get3A_13, %get3A_14, %get3A_15] : memref<2x2000x128xf32, #tpu.memory_space<vmem>>, vector<1x2000x1xf32>
    %get3A_17 = vector.shape_cast %get3A_16 : vector<1x2000x1xf32> to vector<2000x1xf32>
    %get3A_18 = arith.constant 1 : index
    %get3A_19 = arith.constant 0 : index
    %get3A_20 = arith.constant 0 : index
    %get3A_21 = vector.load %arg1[%get3A_18, %get3A_19, %get3A_20] : memref<2x2000x128xf32, #tpu.memory_space<vmem>>, vector<1x2000x1xf32>
    %get3A_22 = vector.shape_cast %get3A_21 : vector<1x2000x1xf32> to vector<2000x1xf32>
    %add3A_23 = arith.addf %get3A_17, %get3A_22 : vector<2000x1xf32>
    %add3A_24 = arith.constant 1.000000e+00 : f32
    %add3A_25 = vector.broadcast %add3A_24 : f32 to vector<2000x1xf32>
    %add3A_26 = arith.addf %add3A_23, %add3A_25 : vector<2000x1xf32>
    %rsqrt3A = math.rsqrt %add3A_26 : vector<2000x1xf32>
    %mul3A = vector.broadcast %rsqrt3A : vector<2000x1xf32> to vector<2000x128xf32>
    %mul3A_27 = arith.mulf %add3A_12, %mul3A : vector<2000x128xf32>
    %get3A_28 = arith.constant 0 : index
    %get3A_29 = arith.constant 0 : index
    %get3A_30 = vector.load %arg4[%get3A_28, %get3A_29] : memref<1x128xf32, #tpu.memory_space<vmem>>, vector<1x128xf32>
    %add3A_31 = vector.broadcast %get3A_30 : vector<1x128xf32> to vector<2000x128xf32>
    %add3A_32 = arith.addf %mul3A_27, %add3A_31 : vector<2000x128xf32>
    %reduce_max3A = arith.constant dense<0xFF800000> : vector<2000xf32>
    %reduce_max3A_33 = vector.multi_reduction <maximumf>, %add3A_32, %reduce_max3A [1] : vector<2000x128xf32> to vector<2000xf32>
    %broadcast_in_dim3A = vector.shape_cast %reduce_max3A_33 : vector<2000xf32> to vector<2000x1xf32>
    %sub3A = vector.broadcast %broadcast_in_dim3A : vector<2000x1xf32> to vector<2000x128xf32>
    %sub3A_34 = arith.subf %add3A_32, %sub3A : vector<2000x128xf32>
    %exp3A = math.exp %sub3A_34 : vector<2000x128xf32>
    %reduce_sum3A = arith.constant dense<0.000000e+00> : vector<2000xf32>
    %reduce_sum3A_35 = vector.multi_reduction <add>, %exp3A, %reduce_sum3A [1] : vector<2000x128xf32> to vector<2000xf32>
    %broadcast_in_dim3A_36 = vector.shape_cast %reduce_sum3A_35 : vector<2000xf32> to vector<2000x1xf32>
    %log3A = math.log %broadcast_in_dim3A_36 : vector<2000x1xf32>
    %add3A_37 = arith.addf %log3A, %broadcast_in_dim3A : vector<2000x1xf32>
    %sub3A_38 = vector.broadcast %add3A_37 : vector<2000x1xf32> to vector<2000x128xf32>
    %sub3A_39 = arith.subf %add3A_32, %sub3A_38 : vector<2000x128xf32>
    %swap3A = arith.constant 0 : index
    %swap3A_40 = arith.constant 0 : index
    %swap3A_41 = vector.load %arg5[%swap3A, %swap3A_40] : memref<2000x128xf32, #tpu.memory_space<vmem>>, vector<2000x128xf32>
    tpu.vector_store %arg5[%swap3A, %swap3A_40], %sub3A_39 {strides = array<i32>} : memref<2000x128xf32, #tpu.memory_space<vmem>>, vector<2000x128xf32>,
    return
  }
  func.func @transform_0(%arg0: i32) -> (i32, i32, i32) {
    %c0_i32 = arith.constant 0 : i32
    %c0_i32_0 = arith.constant 0 : i32
    %c0_i32_1 = arith.constant 0 : i32
    return %c0_i32, %arg0, %c0_i32_0 : i32, i32, i32
  }
  func.func @transform_1(%arg0: i32) -> (i32, i32, i32) {
    %c0_i32 = arith.constant 0 : i32
    %c0_i32_0 = arith.constant 0 : i32
    %c0_i32_1 = arith.constant 0 : i32
    return %c0_i32, %arg0, %c0_i32_0 : i32, i32, i32
  }
  func.func @transform_2(%arg0: i32) -> (i32, i32) {
    %c0_i32 = arith.constant 0 : i32
    %c0_i32_0 = arith.constant 0 : i32
    return %arg0, %c0_i32 : i32, i32
  }
  func.func @transform_3(%arg0: i32) -> (i32, i32) {
    %c0_i32 = arith.constant 0 : i32
    %c0_i32_0 = arith.constant 0 : i32
    %c0_i32_1 = arith.constant 0 : i32
    return %c0_i32, %c0_i32_0 : i32, i32
  }
  func.func @transform_4(%arg0: i32) -> (i32, i32) {
    %c0_i32 = arith.constant 0 : i32
    %c0_i32_0 = arith.constant 0 : i32
    return %arg0, %c0_i32 : i32, i32
  }
}

</mosaic_0001>

<sc_bundles>
// kernel: kernel.11.cloned.1.call-start
scs
__scs_entry_jumppad:
0x0: {  	(pc) =	sbr.rel $0x88, $3  }
0x1: {  	(tag) =	ssettag $0x0;
	lr =	simm.s32 $0x1  }
0x2: {  	[smem:$0x3F9D] =	sst lr;
	_ =	strace $0xD0000000  }
0x3: {  	_ = 	snop  }
0x4: {  	_ = 	snop  }
0x5: {  	_ = 	snop  }
0x6: {  	_ = 	snop  }
0x7: {  	_ = 	snop  }
__scs_overlays_trampoline_lowered:
0x8: {  	[smem:$0x3FAC] =	sst s0  }
0x9: {  	[smem:$0x3FAD] =	sst s1  }
0xa: {  	[smem:$0x3FAE] =	sst s2  }
0xb: {  	[smem:$0x3FAF] =	sst s3  }
0xc: {  	[smem:$0x3FB0] =	sst s4  }
0xd: {  	[smem:$0x3FB1] =	sst s5  }
0xe: {  	[smem:$0x3FB2] =	sst s6  }
0xf: {  	[smem:$0x3FB3] =	sst s7  }
0x10: {  	[smem:$0x3FB4] =	sst s8  }
0x11: {  	[smem:$0x3FB5] =	sst s9;
	s0 =	simm.s32 @!p0 $0x0  }
0x12: {  	s1 =	sld [smem:$0x3F9B];
	s0 =	simm.s32 @p0 $0x1  }
0x13: {  	[smem:$0x3FB6] =	sst s0;
	s0 =	simm.s32 @!p1 $0x0  }
0x14: {  	s2 =	sld [smem:$0x3F9A];
	s0 =	simm.s32 @p1 $0x1  }
0x15: {  	[smem:$0x3FB7] =	sst s0;
	s0 =	simm.s32 @!p2 $0x0  }
0x16: {  	s3 =	sld [smem:$0x3FDB];
	s0 =	simm.s32 @p2 $0x1  }
0x17: {  	s4 =	simm.s32 $0x1BF5;
	[smem:$0x3FB9] =	sst s0  }
0x18: {  	s0 =	sld [smem:$0x3F9C];
	_ =	swait.ge [sflag:s4], $0x0  }
0x19: {  	s7 =	sld [smem:$0x3F9D]  }
0x1a: {  	s8 =	sadd.s32 $0xFFFFE003, lr  }
0x1b: {  	s9 =	sadd.s32 $0xFFFFFEF7, lr;
	s5 =	simm.s32 $0xFFFFFFFF;
	p2 =	slt.u32 s8, $0xFFFFF086  }
0x1c: {  	p1 =	slt.u32 s9, $0xF7A;
	s5 =	simm.s32 @!p2 $0x0  }
0x1d: {  	s5 =	simm.s32 @p1 $0x1;
	p0 =	seq.s32 s7, s2  }
0x1e: {  	s7 =	smul.u32 @!p0 $0xF7A, s2;
	p2 =	seq.s32 @!p0 s5, $0x0  }
0x1f: {  	s9 =	smul.u32 $0xF7A, s1;
	s8 =	simm.s32 @!p0 $0x1BF5;
	p2 =	por !p2, p0  }
0x20: {  	[sflag:s8] =	ssyncset.s32 @!p0 $0xFFFFF086;
	s6 =	sadd.s32 @!p0 s3, s7;
	s7 =	simm.s32 @!p0 $0x108  }
0x21: {  	s3 =	sadd.s32 s3, s9;
	s6 =	sadd.s32 @!p0 $0x88, s6;
	s7 =	simm.s32 @p2 $0x1082  }
0x22: {  	[simem:s7], [sflag:s8] =	dma.local @!p0 [hbm:s6], $0xF7A  }
0x23: {  	s9 =	sor.u32 $0xD0000000, s2;
	s6 =	simm.s32 $0x108;
	_ =	swait.ge @!p0 [sflag:s8], $0x0  }
0x24: {  	s3 =	sadd.s32 $0x88, s3;
	s6 =	simm.s32 @!p1 $0x1082;
	[sflag:s4] =	ssyncset.s32 $0xFFFFF086  }
0x25: {  	[simem:s6], [sflag:s4] =	dma.local [hbm:s3], $0xF7A  }
0x26: {  	[smem:$0x3F9D] =	sst s1;
	(tag) =	ssettag s2;
	_ =	strace s9  }
0x27: {  	s1 =	sld [smem:$0x3FAD]  }
0x28: {  	s2 =	sld [smem:$0x3FAE]  }
0x29: {  	s4 =	sld [smem:$0x3FB0]  }
0x2a: {  	p0 =	seq.s32 s5, $0x0;
	s5 =	sld [smem:$0x3FB1]  }
0x2b: {  	s6 =	sld [smem:$0x3FB2]  }
0x2c: {  	s7 =	sld [smem:$0x3FB3]  }
0x2d: {  	s3 =	simm.s32 $0x108;
	s8 =	sld [smem:$0x3FB4]  }
0x2e: {  	s3 =	simm.s32 @!p0 $0x1082;
	s9 =	sld [smem:$0x3FB5]  }
0x2f: {  	lr =	sadd.s32 s0, s3;
	s0 =	sld [smem:$0x3FAC]  }
0x30: {  	s3 =	sld [smem:$0x3FAF]  }
0x31: {  	[smem:$0x3FB8] =	sst s10  }
0x32: {  	s10 =	sld [smem:$0x3FB6];
	_ =	sdelay $0x3  }
0x33: {  	p0 =	seq.s32 s10, $0x1;
	s10 =	sld [smem:$0x3FB8];
	_ =	sdelay $0x3  }
0x34: {  	[smem:$0x3FB8] =	sst s10  }
0x35: {  	s10 =	sld [smem:$0x3FB7];
	_ =	sdelay $0x3  }
0x36: {  	p1 =	seq.s32 s10, $0x1;
	s10 =	sld [smem:$0x3FB8];
	_ =	sdelay $0x3  }
0x37: {  	[smem:$0x3FB8] =	sst s10  }
0x38: {  	s10 =	sld [smem:$0x3FB9]  }
0x39: {  	_ = 	snop;
	(pc) =	sbr.ind lr, $3  }
0x3a: {  	_ = 	snop  }
0x3b: {  	_ = 	snop  }
0x3c: {  	p2 =	seq.s32 s10, $0x1;
	s10 =	sld [smem:$0x3FB8]  }
0x3d: {  	_ =	shalt  }
0x3e: {  	_ =	shalt  }
0x3f: {  	_ =	shalt  }
0x40: {  	_ =	shalt  }
0x41: {  	_ =	shalt  }
0x42: {  	_ =	shalt  }
0x43: {  	_ =	shalt  }
0x44: {  	_ =	shalt  }
0x45: {  	_ =	shalt  }
0x46: {  	_ =	shalt  }
0x47: {  	_ =	shalt  }
0x48: {  	_ =	shalt  }
0x49: {  	_ =	shalt  }
0x4a: {  	_ =	shalt  }
0x4b: {  	_ =	shalt  }
0x4c: {  	_ =	shalt  }
0x4d: {  	_ =	shalt  }
0x4e: {  	_ =	shalt  }
0x4f: {  	_ =	shalt  }
0x50: {  	_ =	shalt  }
0x51: {  	_ =	shalt  }
0x52: {  	_ =	shalt  }
0x53: {  	_ =	shalt  }
0x54: {  	_ =	shalt  }
0x55: {  	_ =	shalt  }
0x56: {  	_ =	shalt  }
0x57: {  	_ =	shalt  }
0x58: {  	_ =	shalt  }
0x59: {  	_ =	shalt  }
0x5a: {  	_ =	shalt  }
0x5b: {  	_ =	shalt  }
0x5c: {  	_ =	shalt  }
0x5d: {  	_ =	shalt  }
0x5e: {  	_ =	shalt  }
0x5f: {  	_ =	shalt  }
0x60: {  	_ =	shalt  }
0x61: {  	_ =	shalt  }
0x62: {  	_ =	shalt  }
0x63: {  	_ =	shalt  }
0x64: {  	_ =	shalt  }
0x65: {  	_ =	shalt  }
0x66: {  	_ =	shalt  }
0x67: {  	_ =	shalt  }
0x68: {  	_ =	shalt  }
0x69: {  	_ =	shalt  }
0x6a: {  	_ =	shalt  }
0x6b: {  	_ =	shalt  }
0x6c: {  	_ =	shalt  }
0x6d: {  	_ =	shalt  }
0x6e: {  	_ =	shalt  }
0x6f: {  	_ =	shalt  }
0x70: {  	_ =	shalt  }
0x71: {  	_ =	shalt  }
0x72: {  	_ =	shalt  }
0x73: {  	_ =	shalt  }
0x74: {  	_ =	shalt  }
0x75: {  	_ =	shalt  }
0x76: {  	_ =	shalt  }
0x77: {  	_ =	shalt  }
0x78: {  	_ =	shalt  }
0x79: {  	_ =	shalt  }
0x7a: {  	_ =	shalt  }
0x7b: {  	_ =	shalt  }
0x7c: {  	_ =	shalt  }
0x7d: {  	_ =	shalt  }
0x7e: {  	_ =	shalt  }
0x7f: {  	_ =	shalt  }
0x80: {  	_ =	shalt  }
0x81: {  	_ =	shalt  }
0x82: {  	_ =	shalt  }
0x83: {  	_ =	shalt  }
0x84: {  	_ =	shalt  }
0x85: {  	_ =	shalt  }
0x86: {  	_ =	shalt  }
0x87: {  	_ =	shalt  }
.Lfunc_end0:
.L_simem_size_0:
called_computation.1_lowered:
.L_overlay_start_0:
0x88: {  	s2 =	sld [smem:$0x3FD9]  }
0x89: {  	s3 =	sld [smem:$0x3FFE];
	_ =	sdelay $0x1  }
0x8a: {  	s1 =	srdreg.scid  }
0x8b: {  	s0 =	sand.u32 $0x1, s1  }
0x8c: {  	s17 =	sshll.u32 s0, $0xA;
	s2 =	sadd.s32 s3, s2  }
0x8d: {  	s2 =	sadd.s32 s2, s17  }
0x8e: {  	[smem:$0x3FC4] =	sst s2  }
0x8f: {  	_ = 	snop  }
0x90: {  	s2 =	sld [smem:$0x3FD0];
	(tm) =	ssettm $0x1  }
0x91: {  	s18 =	sld [smem:$0x3FFB];
	_ =	sdelay $0x3  }
0x92: {  	_ =	strace s18  }
0x93: {  	s3 =	sld [smem:$0x3FFC];
	_ =	sdelay $0x3  }
0x94: {  	_ =	strace s3  }
0x95: {  	s3 =	sld [smem:$0x3FFD];
	_ =	sdelay $0x3  }
0x96: {  	_ =	strace s3  }
0x97: {  	_ =	strace $0x8FFFFFFF  }
0x98: {  	s19 =	sld [smem:$0x3FDB];
	_ =	sdelay $0x1  }
0x99: {  	s4 =	simm.s32 $_scs_section_size  }
0x9a: {  	s5 =	simm.s32 $_size__tile_overlayer_lowered;
	s6 =	simm.s32 $_tile_overlayer_lowered  }
0x9b: {  	s22 =	simm.s32 $0x1BFF;
	s21 =	sshll.u32 s6, $0x1;
	s3 =	sadd.s32 s4, s19  }
0x9c: {  	s7 =	simm.s32 $0x0;
	s20 =	sshll.u32 s5, $0x1;
	s5 =	sadd.s32 s21, s3  }
0x9d: {  	[timem:s7], [sflag:s22] =	dma.local [hbm:s5], s20  }
0x9e: {  	_ =	swait.ge [sflag:s22], s20  }
0x9f: {  	s4 =	ssub.s32 $0x0, s20;
	[sflag:s22] =	ssyncset.done $0x0  }
0xa0: {  	[sflag:s22] =	ssyncadd.s32 s4;
	_ =	sdelay $0x1  }
0xa1: {  	s23 =	simm.s32 $0x1B8B  }
0xa2: {  	_ =	swait.ge [sflag:s23], $0x1  }
0xa3: {  	[sflag:s23] =	ssyncset.done $0x0  }
0xa4: {  	s25 =	simm.s32 $0x1B8E;
	s24 =	sld [smem:$0x3FFE];
	[sflag:s23] =	ssyncadd.s32 $0xFFFFFFFF  }
0xa5: {  	s26 =	simm.s32 $execute0_lowered;
	[smem:$0x3FD2] =	sst s25  }
0xa6: {  	s5 =	sshll.u32 s26, $0x1;
	_ =	strace $0x80000049;
	[dreg:$0x1] =	wrdreg $0xFFFFFFFF  }
0xa7: {  	s28 =	simm.s32 $_size_execute0_lowered;
	s3 =	sadd.s32 s3, s5;
	[dreg:$0x0] =	wrdreg $0x0  }
0xa8: {  	s5 =	sshll.u32 s28, $0x1;
	[dreg:$0x2] =	wrdreg s3  }
0xa9: {  	[dreg:$0x3] =	wrdreg s5  }
0xaa: {  	[dreg:$0x4] =	wrdreg $0xC0  }
0xab: {  	_ =	task [dreg:s7], $0x5FFFF  }
0xac: {  	[dreg:$0x1] =	wrdreg $0xFFFFFFFF  }
0xad: {  	[dreg:$0x0] =	wrdreg $0x60  }
0xae: {  	[dreg:$0x2] =	wrdreg s2  }
0xaf: {  	[dreg:$0x3] =	wrdreg s24  }
0xb0: {  	[dreg:$0x4] =	wrdreg $0xA9000  }
0xb1: {  	[dreg:$0x5] =	wrdreg $0x9  }
0xb2: {  	_ =	task.clear_ibuf [dreg:s7], $0x6FFFF;
	_ =	strace $0x90000049  }
0xb3: {  	s29 =	simm.s32 $0x9;
	_ =	strace $0x8000004B  }
0xb4: {  	_ =	swait.ge [sflag:s29], $0x1  }
0xb5: {  	[sflag:s29] =	ssyncadd.s32 $0xFFFFFFFF  }
0xb6: {  	_ =	strace $0x9000004B  }
0xb7: {  	_ =	sfence  }
0xb8: {  	s30 =	sld [smem:$0x0];
	_ =	sdelay $0x2  }
0xb9: {  	s31 =	sshll.u32 s1, $0xD;
	s1 =	sshrl.u32 s1, $0x2  }
0xba: {  	s3 =	sand.u32 $0x4000, s31;
	s1 =	sadd.s32 s1, s30  }
0xbb: {  	s0 =	sor.u32 s3, s0;
	s1 =	sshll.u32 s1, $0x11  }
0xbc: {  	s0 =	sor.u32 s1, s0  }
0xbd: {  	s0 =	sadd.s32 $0x8F2B, s0  }
0xbe: {  	[sflag:s0] =	ssyncadd.remote.s32 $0x1  }
0xbf: {  	_ =	sfence.sel $0xFFFF  }
0xc0: {  	[dreg:$0x0] =	wrdreg $0xFFFFFFFF;
	(pc) =	sbr.abs _section_cstart, $3  }
0xc1: {  	[dreg:$0x1] =	wrdreg $0xFFFFFFFF  }
0xc2: {  	_ =	task.clear_ibuf [dreg:s7], $0x2FFFF;
	_ =	strace $0x9FFFFFFF  }
0xc3: {  	(tm) =	ssettm $0x7FFFFFFF  }
tec
execute0_lowered:
.L_overlay_start_1:
0x0: {  	(tag) =	ssettag $0x1  }
0x1: {  	s1 =	rddreg [dreg:$0x0]  }
0x2: {  	s0 =	srdreg.scid;
	s8 =	rddreg [dreg:$0x1]  }
0x3: {  	s25 =	stileid.u32;
	s3 =	rddreg [dreg:$0x2];
	s18 =	simm.s32 $0x2900  }
0x4: {  	s19 =	simm.s32 $0x5;
	s20 =	simm.s32 $0x80;
	s21 =	simm.s32 $0x6900  }
0x5: {  	s22 =	simm.s32 $0x2800;
	s23 =	simm.s32 $0x2880;
	s24 =	simm.s32 $0x1  }
0x6: {  	s28 =	simm.s32 $0x4;
	s29 =	simm.s32 $0x0;
	s10 =	smul.u32 $0x14000, s25  }
0x7: {  	s2 =	sand.u32 $0x1, s0;
	s6 =	sadd.s32 $0x2000, s8;
	s11 =	smul.u32 $0x50000, s25  }
0x8: {  	s26 =	sadd.s32 $0xC000, s8;
	s4 =	sshll.u32 s2, $0x4;
	s9 =	smul.u32 $0x140000, s2  }
0x9: {  	s2 =	ssub.s32 $0x2, s2;
	s5 =	sor.u32 s25, s4;
	s4 =	simm.s32 $0x0  }
0xa: {  	s30 =	sshrl.u32 s11, $0x2;
	s31 =	sshrl.u32 s2, $0x1;
	s25 =	simm.s32 $0x3  }
0xb: {  	s5 =	smul.u32 $0x2800, s5;
	[smem:$0x7FF] =	sst s4;
	s9 =	sadd.s32 s10, s9  }
0xc: {  	s2 =	ssub.s32 s2, s31;
	_ =	strace $0x8000004A;
	[dreg:$0x4] =	wrdreg s26  }
0xd: {  	s9 =	sshrl.u32 s9, $0x3;
	s17 =	smax.u32 s2, $0x1;
	s13 =	sshrl.u32 s5, $0x3  }
0xe: {  	s26 =	simm.s32 $0x2;
	s16 =	sadd.s32 s9, s8;
	s14 =	sadd.s32 s13, s8  }
0xf: {  	s8 =	sadd.s32 s30, s3;
	s13 =	sadd.s32 s6, s13;
	s16 =	sadd.s32 $0xC800, s16  }
0x10: {  	s9 =	sadd.s32 $0x4000, s8;
	s10 =	sadd.s32 $0x8000, s8;
	s11 =	sadd.s32 $0xC000, s8  }
0x11: {  	s12 =	sadd.s32 $0x10000, s8;
	s14 =	sadd.s32 $0x5C800, s14;
	s15 =	sadd.s32 $0x10, s13  }
.LBB2_1:
0x12: {  	s0 =	rddreg [dreg:$0x4]  }
0x13: {  	[tilespmem:s18], [sflag:$0x5] =	stream.linear.gather [hbm4b:s0+s4], $0x4000, $0x38;
	[tilespmem:$0x1E900] =	vst v63  }
0x14: {  	_ =	swait.ge [sflag:s19], $0x4000  }
0x15: {  	[sflag:s19] =	ssyncset.done $0x0  }
0x16: {  	[sflag:s19] =	ssyncadd.s32 $0xFFFFC000  }
0x17: {  	[spmem:s8] =	stream.linear.scatter [tilespmem:s18], [sflag:$0x5], $0x4000, $0x38;
	[tilespmem:$0x1E900] =	vst v63  }
0x18: {  	_ =	swait.ge [sflag:s19], $0x4000  }
0x19: {  	[sflag:s19] =	ssyncset.done $0x0  }
0x1a: {  	[sflag:s19] =	ssyncadd.s32 $0xFFFFC000  }
0x1b: {  	[spmem:s9] =	stream.linear.scatter [tilespmem:s18], [sflag:$0x5], $0x4000, $0x38;
	[tilespmem:$0x1E900] =	vst v63  }
0x1c: {  	_ =	swait.ge [sflag:s19], $0x4000  }
0x1d: {  	[sflag:s19] =	ssyncset.done $0x0  }
0x1e: {  	[sflag:s19] =	ssyncadd.s32 $0xFFFFC000  }
0x1f: {  	[spmem:s10] =	stream.linear.scatter [tilespmem:s18], [sflag:$0x5], $0x4000, $0x38;
	[tilespmem:$0x1E900] =	vst v63  }
0x20: {  	_ =	swait.ge [sflag:s19], $0x4000  }
0x21: {  	[sflag:s19] =	ssyncset.done $0x0  }
0x22: {  	[sflag:s19] =	ssyncadd.s32 $0xFFFFC000  }
0x23: {  	[spmem:s11] =	stream.linear.scatter [tilespmem:s18], [sflag:$0x5], $0x4000, $0x38;
	[tilespmem:$0x1E900] =	vst v63  }
0x24: {  	_ =	swait.ge [sflag:s19], $0x4000  }
0x25: {  	[sflag:s19] =	ssyncset.done $0x0  }
0x26: {  	[sflag:s19] =	ssyncadd.s32 $0xFFFFC000  }
0x27: {  	[spmem:s12] =	stream.linear.scatter [tilespmem:s18], [sflag:$0x5], $0x4000, $0x38;
	[tilespmem:$0x1E900] =	vst v63  }
0x28: {  	_ =	swait.ge [sflag:s19], $0x4000  }
0x29: {  	[sflag:s19] =	ssyncset.done $0x0  }
0x2a: {  	[sflag:s19] =	ssyncadd.s32 $0xFFFFC000  }
0x2b: {  	[tilespmem:s4], [sflag:$0x5] =	stream.linear.gather [hbm4b:s14+s4], $0x2800, $0x38;
	[tilespmem:$0x1E900] =	vst v63  }
0x2c: {  	_ =	swait.ge [sflag:s19], $0x2800  }
0x2d: {  	[sflag:s19] =	ssyncset.done $0x0  }
0x2e: {  	[sflag:s19] =	ssyncadd.s32 $0xFFFFD800  }
0x2f: {  	[bflag:$0x0] =	sbarrier.arrive $0xFFFF  }
0x30: {  	[tilespmem:s18], [sflag:$0x1] =	stream.indirect.gather [hbm4b:s1+s20], $0x80, s4, s20, $0xb8;
	[tilespmem:$0x1E900] =	vst v63  }
0x31: {  	_ = 	snop  }
0x32: {  	[tilespmem:s21], [sflag:$0x2] =	stream.indirect.gather [hbm4b:s1+s20], $0x80, s20, s20, $0xb8;
	[tilespmem:$0x1E900] =	vst v63  }
0x33: {  	_ = 	snop  }
0x34: {  	[tilespmem:s22], [sflag:$0x3] =	stream.linear.gather [hbm4b:s13+s4], $0x80, $0x38;
	[tilespmem:$0x1E900] =	vst v63  }
0x35: {  	_ = 	snop  }
0x36: {  	[tilespmem:s23], [sflag:$0x4] =	stream.linear.gather [hbm4b:s15+s4], $0x80, $0x38;
	[tilespmem:$0x1E900] =	vst v63  }
0x37: {  	_ =	swait.ge [sflag:s24], $0x4000  }
0x38: {  	[sflag:s24] =	ssyncset.done $0x0  }
0x39: {  	[sflag:s24] =	ssyncadd.s32 $0xFFFFC000  }
0x3a: {  	_ =	swait.ge [sflag:s25], $0x80  }
0x3b: {  	s2 =	simm.s32 $0x100;
	[sflag:s25] =	ssyncset.done $0x0  }
0x3c: {  	s30 =	sand.u32 $0x7C00, s2;
	[sflag:s25] =	ssyncadd.s32 $0xFFFFFF80  }
0x3d: {  	[spmem:s3] =	stream.indirect.scatter.add.f32 [tilespmem:s18], [sflag:$0x5], $0x80, s22, s20, $0xb8;
	[tilespmem:$0x1E900] =	vst v63  }
0x3e: {  	s2 =	sand.u32 $0x300, s2;
	s31 =	sadd.s32 s5, s30;
	_ =	swait.ge [sflag:s19], $0x4000  }
0x3f: {  	s2 =	sor.u32 s2, s31;
	[sflag:s19] =	ssyncset.done $0x0  }
0x40: {  	s30 =	simm.s32 $0x100;
	s2 =	sshrl.u32 s2, $0x3;
	[sflag:s19] =	ssyncadd.s32 $0xFFFFC000  }
0x41: {  	[tilespmem:s18], [sflag:$0x1] =	stream.indirect.gather [hbm4b:s1+s20], $0x80, s30, s20, $0xb8;
	[tilespmem:$0x1E900] =	vst v63  }
0x42: {  	s2 =	sadd.s32 s6, s2  }
0x43: {  	[tilespmem:s22], [sflag:$0x3] =	stream.linear.gather [hbm4b:s2+s4], $0x80, $0x38;
	[tilespmem:$0x1E900] =	vst v63  }
0x44: {  	_ =	swait.ge [sflag:s26], $0x4000  }
0x45: {  	[sflag:s26] =	ssyncset.done $0x0  }
0x46: {  	[sflag:s26] =	ssyncadd.s32 $0xFFFFC000  }
0x47: {  	_ =	swait.ge [sflag:s28], $0x80  }
0x48: {  	[sflag:s28] =	ssyncset.done $0x0  }
0x49: {  	[sflag:s28] =	ssyncadd.s32 $0xFFFFFF80  }
0x4a: {  	[spmem:s3] =	stream.indirect.scatter.add.f32 [tilespmem:s21], [sflag:$0x5], $0x80, s23, s20, $0xb8;
	[tilespmem:$0x1E900] =	vst v63  }
0x4b: {  	_ =	swait.ge [sflag:s19], $0x4000  }
0x4c: {  	[sflag:s19] =	ssyncset.done $0x0  }
0x4d: {  	s7 =	simm.s32 $0x180;
	s31 =	simm.s32 $0x180;
	[sflag:s19] =	ssyncadd.s32 $0xFFFFC000  }
0x4e: {  	[tilespmem:s21], [sflag:$0x2] =	stream.indirect.gather [hbm4b:s1+s20], $0x80, s31, s20, $0xb8;
	[tilespmem:$0x1E900] =	vst v63  }
0x4f: {  	s31 =	sand.u32 $0x7C00, s7  }
0x50: {  	s2 =	sand.u32 $0x380, s7;
	s31 =	sadd.s32 s5, s31  }
0x51: {  	s2 =	sor.u32 s2, s31  }
0x52: {  	s31 =	simm.s32 $0x280;
	s2 =	sshrl.u32 s2, $0x3  }
.LBB2_2:
0x53: {  	p0 =	sne.s32 s31, $0x2780;
	s2 =	sadd.s32 s6, s2;
	s30 =	sadd.s32 $0x100, s30  }
0x54: {  	[tilespmem:s23], [sflag:$0x4] =	stream.linear.gather [hbm4b:s2+s4], $0x80, $0x38;
	[tilespmem:$0x1E900] =	vst v63  }
0x55: {  	s2 =	smov.u32 s31;
	s31 =	sadd.s32 $0x100, s31;
	_ =	swait.ge [sflag:s24], $0x4000  }
0x56: {  	[sflag:s24] =	ssyncset.done $0x0  }
0x57: {  	[sflag:s24] =	ssyncadd.s32 $0xFFFFC000  }
0x58: {  	_ =	swait.ge [sflag:s25], $0x80  }
0x59: {  	[sflag:s25] =	ssyncset.done $0x0  }
0x5a: {  	s0 =	sadd.s32 $0xFFFFFF80, s2;
	[sflag:s25] =	ssyncadd.s32 $0xFFFFFF80  }
0x5b: {  	[spmem:s3] =	stream.indirect.scatter.add.f32 [tilespmem:s18], [sflag:$0x5], $0x80, s22, s20, $0xb8;
	[tilespmem:$0x1E900] =	vst v63  }
0x5c: {  	s7 =	sand.u32 $0x7C00, s0;
	_ =	swait.ge [sflag:s19], $0x4000  }
0x5d: {  	s0 =	sand.u32 $0x300, s0;
	s7 =	sadd.s32 s5, s7;
	[sflag:s19] =	ssyncset.done $0x0  }
0x5e: {  	s0 =	sor.u32 s0, s7;
	[sflag:s19] =	ssyncadd.s32 $0xFFFFC000  }
0x5f: {  	[tilespmem:s18], [sflag:$0x1] =	stream.indirect.gather [hbm4b:s1+s20], $0x80, s30, s20, $0xb8;
	[tilespmem:$0x1E900] =	vst v63  }
0x60: {  	s0 =	sshrl.u32 s0, $0x3  }
0x61: {  	s0 =	sadd.s32 s6, s0  }
0x62: {  	[tilespmem:s22], [sflag:$0x3] =	stream.linear.gather [hbm4b:s0+s4], $0x80, $0x38;
	[tilespmem:$0x1E900] =	vst v63  }
0x63: {  	_ =	swait.ge [sflag:s26], $0x4000  }
0x64: {  	[sflag:s26] =	ssyncset.done $0x0  }
0x65: {  	[sflag:s26] =	ssyncadd.s32 $0xFFFFC000  }
0x66: {  	_ =	swait.ge [sflag:s28], $0x80  }
0x67: {  	[sflag:s28] =	ssyncset.done $0x0  }
0x68: {  	s0 =	sand.u32 $0x7C00, s2;
	[sflag:s28] =	ssyncadd.s32 $0xFFFFFF80  }
0x69: {  	[spmem:s3] =	stream.indirect.scatter.add.f32 [tilespmem:s21], [sflag:$0x5], $0x80, s23, s20, $0xb8;
	[tilespmem:$0x1E900] =	vst v63  }
.Ltmp0:
0x6a: {  	_ = 	snop;
	(pc) =	sbr.rel @p0 .LBB2_2-.Ltmp0, $4  }
0x6b: {  	s2 =	sand.u32 $0x380, s2;
	s0 =	sadd.s32 s5, s0;
	_ =	swait.ge [sflag:s19], $0x4000  }
0x6c: {  	s0 =	sor.u32 s2, s0;
	[sflag:s19] =	ssyncset.done $0x0  }
0x6d: {  	s7 =	sadd.s32 $0x80, s30;
	s2 =	sshrl.u32 s0, $0x3;
	[sflag:s19] =	ssyncadd.s32 $0xFFFFC000  }
0x6e: {  	[tilespmem:s21], [sflag:$0x2] =	stream.indirect.gather [hbm4b:s1+s20], $0x80, s7, s20, $0xb8;
	[tilespmem:$0x1E900] =	vst v63  }
0x6f: {  	s0 =	sadd.s32 s6, s2  }
0x70: {  	[tilespmem:s23], [sflag:$0x4] =	stream.linear.gather [hbm4b:s0+s4], $0x80, $0x38;
	[tilespmem:$0x1E900] =	vst v63  }
0x71: {  	_ =	swait.ge [sflag:s24], $0x4000  }
0x72: {  	[sflag:s24] =	ssyncset.done $0x0  }
0x73: {  	[sflag:s24] =	ssyncadd.s32 $0xFFFFC000  }
0x74: {  	_ =	swait.ge [sflag:s25], $0x80  }
0x75: {  	[sflag:s25] =	ssyncset.done $0x0  }
0x76: {  	[sflag:s25] =	ssyncadd.s32 $0xFFFFFF80  }
0x77: {  	[spmem:s3] =	stream.indirect.scatter.add.f32 [tilespmem:s18], [sflag:$0x5], $0x80, s22, s20, $0xb8;
	[tilespmem:$0x1E900] =	vst v63  }
0x78: {  	_ =	swait.ge [sflag:s19], $0x4000  }
0x79: {  	[sflag:s19] =	ssyncset.done $0x0  }
0x7a: {  	[sflag:s19] =	ssyncadd.s32 $0xFFFFC000  }
0x7b: {  	_ =	swait.ge [sflag:s26], $0x4000  }
0x7c: {  	[sflag:s26] =	ssyncset.done $0x0  }
0x7d: {  	[sflag:s26] =	ssyncadd.s32 $0xFFFFC000  }
0x7e: {  	_ =	swait.ge [sflag:s28], $0x80  }
0x7f: {  	[sflag:s28] =	ssyncset.done $0x0  }
0x80: {  	[sflag:s28] =	ssyncadd.s32 $0xFFFFFF80  }
0x81: {  	[spmem:s3] =	stream.indirect.scatter.add.f32 [tilespmem:s21], [sflag:$0x5], $0x80, s23, s20, $0xb8;
	[tilespmem:$0x1E900] =	vst v63  }
0x82: {  	s30 =	stileid.u32;
	_ =	swait.ge [sflag:s19], $0x4000  }
0x83: {  	s31 =	sshrl.u32 s8, $0x3;
	s29 =	sadd.s32 $0x1, s29;
	[sflag:s19] =	ssyncset.done $0x0  }
0x84: {  	s0 =	sshll.u32 s30, $0x6;
	p0 =	sne.s32 s29, s17;
	[sflag:s19] =	ssyncadd.s32 $0xFFFFC000  }
.Ltmp1:
0x85: {  	s0 =	sor.u32 $0x1C05, s0;
	[bflag:$0x0] =	sbarrier.arrive $0xFFFF;
	(pc) =	sbr.rel @p0 .LBB2_1-.Ltmp1, $4  }
0x86: {  	[hbm:s16], [sflag:s0] =	dma.local [spmem:s31], $0x2800  }
0x87: {  	_ =	swait.ge [sflag:s19], $0x2800  }
0x88: {  	[sflag:s19] =	ssyncset.done $0x0  }
0x89: {  	[sflag:s19] =	ssyncadd.s32 $0xFFFFD800  }
0x8a: {  	_ =	sfence.sel $0x180000  }
0x8b: {  	[bflag:$0x0] =	sbarrier.arrive $0xFFFF  }
0x8c: {  	_ =	strace $0x9000004A  }
0x8d: {  	s0 =	stileid.u32;
	[bflag:$0x2] =	sbarrier.arrive $0xFFFF  }
0x8e: {  	p0 =	sne.s32 s0, $0x0;
	s0 =	rddreg [dreg:$0x3]  }
0x8f: {  	s0 =	sadd.s32 @!p0 $0x100000, s0  }
0x90: {  	[sflag:s0] =	ssyncadd.tile.s32 @!p0 $0x1;
	_ =	shalt  }
.Lfunc_end2:
_tile_overlayer_lowered:
.L_overlay_start_2:
0x91: {  	(tag) =	ssettag $0x2  }
0x92: {  	s0 =	rddreg [dreg:$0x0];
	s2 =	stileid.u32  }
0x93: {  	s1 =	rddreg [dreg:$0x1];
	p0 =	sne.s32 s2, $0x0  }
0x94: {  	s3 =	rddreg [dreg:$0x2];
	[bflag:$0x3] =	sbarrier.arrive $0xFFFF;
	s2 =	simm.s32 @!p0 $0x1C05  }
0x95: {  	[timem:s3], [sflag:s2] =	dma.local @!p0 [hbm:s0], s1  }
0x96: {  	s0 =	simm.s32 @!p0 $0x5  }
0x97: {  	_ =	swait.ge @!p0 [sflag:s0], s1  }
0x98: {  	s1 =	ssub.s32 @!p0 $0x0, s1;
	[sflag:s0] =	ssyncset.done @!p0 $0x0  }
0x99: {  	[sflag:s0] =	ssyncadd.s32 @!p0 s1  }
0x9a: {  	[bflag:$0x3] =	sbarrier.arrive $0xFFFF  }
0x9b: {  	_ =	shalt  }

// kernel: kernel.14.cloned.1.call-start
scs
__scs_entry_jumppad:
0x0: {  	(pc) =	sbr.rel $0x88, $3  }
0x1: {  	(tag) =	ssettag $0x0;
	lr =	simm.s32 $0x1  }
0x2: {  	[smem:$0x3F9D] =	sst lr;
	_ =	strace $0xD0000000  }
0x3: {  	_ = 	snop  }
0x4: {  	_ = 	snop  }
0x5: {  	_ = 	snop  }
0x6: {  	_ = 	snop  }
0x7: {  	_ = 	snop  }
__scs_overlays_trampoline_lowered:
0x8: {  	[smem:$0x3FAC] =	sst s0  }
0x9: {  	[smem:$0x3FAD] =	sst s1  }
0xa: {  	[smem:$0x3FAE] =	sst s2  }
0xb: {  	[smem:$0x3FAF] =	sst s3  }
0xc: {  	[smem:$0x3FB0] =	sst s4  }
0xd: {  	[smem:$0x3FB1] =	sst s5  }
0xe: {  	[smem:$0x3FB2] =	sst s6  }
0xf: {  	[smem:$0x3FB3] =	sst s7  }
0x10: {  	[smem:$0x3FB4] =	sst s8  }
0x11: {  	[smem:$0x3FB5] =	sst s9;
	s0 =	simm.s32 @!p0 $0x0  }
0x12: {  	s1 =	sld [smem:$0x3F9B];
	s0 =	simm.s32 @p0 $0x1  }
0x13: {  	[smem:$0x3FB6] =	sst s0;
	s0 =	simm.s32 @!p1 $0x0  }
0x14: {  	s2 =	sld [smem:$0x3F9A];
	s0 =	simm.s32 @p1 $0x1  }
0x15: {  	[smem:$0x3FB7] =	sst s0;
	s0 =	simm.s32 @!p2 $0x0  }
0x16: {  	s3 =	sld [smem:$0x3FDB];
	s0 =	simm.s32 @p2 $0x1  }
0x17: {  	s4 =	simm.s32 $0x1BF5;
	[smem:$0x3FB9] =	sst s0  }
0x18: {  	s0 =	sld [smem:$0x3F9C];
	_ =	swait.ge [sflag:s4], $0x0  }
0x19: {  	s7 =	sld [smem:$0x3F9D]  }
0x1a: {  	s8 =	sadd.s32 $0xFFFFE003, lr  }
0x1b: {  	s9 =	sadd.s32 $0xFFFFFEF7, lr;
	s5 =	simm.s32 $0xFFFFFFFF;
	p2 =	slt.u32 s8, $0xFFFFF086  }
0x1c: {  	p1 =	slt.u32 s9, $0xF7A;
	s5 =	simm.s32 @!p2 $0x0  }
0x1d: {  	s5 =	simm.s32 @p1 $0x1;
	p0 =	seq.s32 s7, s2  }
0x1e: {  	s7 =	smul.u32 @!p0 $0xF7A, s2;
	p2 =	seq.s32 @!p0 s5, $0x0  }
0x1f: {  	s9 =	smul.u32 $0xF7A, s1;
	s8 =	simm.s32 @!p0 $0x1BF5;
	p2 =	por !p2, p0  }
0x20: {  	[sflag:s8] =	ssyncset.s32 @!p0 $0xFFFFF086;
	s6 =	sadd.s32 @!p0 s3, s7;
	s7 =	simm.s32 @!p0 $0x108  }
0x21: {  	s3 =	sadd.s32 s3, s9;
	s6 =	sadd.s32 @!p0 $0x88, s6;
	s7 =	simm.s32 @p2 $0x1082  }
0x22: {  	[simem:s7], [sflag:s8] =	dma.local @!p0 [hbm:s6], $0xF7A  }
0x23: {  	s9 =	sor.u32 $0xD0000000, s2;
	s6 =	simm.s32 $0x108;
	_ =	swait.ge @!p0 [sflag:s8], $0x0  }
0x24: {  	s3 =	sadd.s32 $0x88, s3;
	s6 =	simm.s32 @!p1 $0x1082;
	[sflag:s4] =	ssyncset.s32 $0xFFFFF086  }
0x25: {  	[simem:s6], [sflag:s4] =	dma.local [hbm:s3], $0xF7A  }
0x26: {  	[smem:$0x3F9D] =	sst s1;
	(tag) =	ssettag s2;
	_ =	strace s9  }
0x27: {  	s1 =	sld [smem:$0x3FAD]  }
0x28: {  	s2 =	sld [smem:$0x3FAE]  }
0x29: {  	s4 =	sld [smem:$0x3FB0]  }
0x2a: {  	p0 =	seq.s32 s5, $0x0;
	s5 =	sld [smem:$0x3FB1]  }
0x2b: {  	s6 =	sld [smem:$0x3FB2]  }
0x2c: {  	s7 =	sld [smem:$0x3FB3]  }
0x2d: {  	s3 =	simm.s32 $0x108;
	s8 =	sld [smem:$0x3FB4]  }
0x2e: {  	s3 =	simm.s32 @!p0 $0x1082;
	s9 =	sld [smem:$0x3FB5]  }
0x2f: {  	lr =	sadd.s32 s0, s3;
	s0 =	sld [smem:$0x3FAC]  }
0x30: {  	s3 =	sld [smem:$0x3FAF]  }
0x31: {  	[smem:$0x3FB8] =	sst s10  }
0x32: {  	s10 =	sld [smem:$0x3FB6];
	_ =	sdelay $0x3  }
0x33: {  	p0 =	seq.s32 s10, $0x1;
	s10 =	sld [smem:$0x3FB8];
	_ =	sdelay $0x3  }
0x34: {  	[smem:$0x3FB8] =	sst s10  }
0x35: {  	s10 =	sld [smem:$0x3FB7];
	_ =	sdelay $0x3  }
0x36: {  	p1 =	seq.s32 s10, $0x1;
	s10 =	sld [smem:$0x3FB8];
	_ =	sdelay $0x3  }
0x37: {  	[smem:$0x3FB8] =	sst s10  }
0x38: {  	s10 =	sld [smem:$0x3FB9]  }
0x39: {  	_ = 	snop;
	(pc) =	sbr.ind lr, $3  }
0x3a: {  	_ = 	snop  }
0x3b: {  	_ = 	snop  }
0x3c: {  	p2 =	seq.s32 s10, $0x1;
	s10 =	sld [smem:$0x3FB8]  }
0x3d: {  	_ =	shalt  }
0x3e: {  	_ =	shalt  }
0x3f: {  	_ =	shalt  }
0x40: {  	_ =	shalt  }
0x41: {  	_ =	shalt  }
0x42: {  	_ =	shalt  }
0x43: {  	_ =	shalt  }
0x44: {  	_ =	shalt  }
0x45: {  	_ =	shalt  }
0x46: {  	_ =	shalt  }
0x47: {  	_ =	shalt  }
0x48: {  	_ =	shalt  }
0x49: {  	_ =	shalt  }
0x4a: {  	_ =	shalt  }
0x4b: {  	_ =	shalt  }
0x4c: {  	_ =	shalt  }
0x4d: {  	_ =	shalt  }
0x4e: {  	_ =	shalt  }
0x4f: {  	_ =	shalt  }
0x50: {  	_ =	shalt  }
0x51: {  	_ =	shalt  }
0x52: {  	_ =	shalt  }
0x53: {  	_ =	shalt  }
0x54: {  	_ =	shalt  }
0x55: {  	_ =	shalt  }
0x56: {  	_ =	shalt  }
0x57: {  	_ =	shalt  }
0x58: {  	_ =	shalt  }
0x59: {  	_ =	shalt  }
0x5a: {  	_ =	shalt  }
0x5b: {  	_ =	shalt  }
0x5c: {  	_ =	shalt  }
0x5d: {  	_ =	shalt  }
0x5e: {  	_ =	shalt  }
0x5f: {  	_ =	shalt  }
0x60: {  	_ =	shalt  }
0x61: {  	_ =	shalt  }
0x62: {  	_ =	shalt  }
0x63: {  	_ =	shalt  }
0x64: {  	_ =	shalt  }
0x65: {  	_ =	shalt  }
0x66: {  	_ =	shalt  }
0x67: {  	_ =	shalt  }
0x68: {  	_ =	shalt  }
0x69: {  	_ =	shalt  }
0x6a: {  	_ =	shalt  }
0x6b: {  	_ =	shalt  }
0x6c: {  	_ =	shalt  }
0x6d: {  	_ =	shalt  }
0x6e: {  	_ =	shalt  }
0x6f: {  	_ =	shalt  }
0x70: {  	_ =	shalt  }
0x71: {  	_ =	shalt  }
0x72: {  	_ =	shalt  }
0x73: {  	_ =	shalt  }
0x74: {  	_ =	shalt  }
0x75: {  	_ =	shalt  }
0x76: {  	_ =	shalt  }
0x77: {  	_ =	shalt  }
0x78: {  	_ =	shalt  }
0x79: {  	_ =	shalt  }
0x7a: {  	_ =	shalt  }
0x7b: {  	_ =	shalt  }
0x7c: {  	_ =	shalt  }
0x7d: {  	_ =	shalt  }
0x7e: {  	_ =	shalt  }
0x7f: {  	_ =	shalt  }
0x80: {  	_ =	shalt  }
0x81: {  	_ =	shalt  }
0x82: {  	_ =	shalt  }
0x83: {  	_ =	shalt  }
0x84: {  	_ =	shalt  }
0x85: {  	_ =	shalt  }
0x86: {  	_ =	shalt  }
0x87: {  	_ =	shalt  }
.Lfunc_end0:
.L_simem_size_0:
called_computation.2_lowered:
.L_overlay_start_0:
0x88: {  	s2 =	sld [smem:$0x3FD9]  }
0x89: {  	s3 =	sld [smem:$0x3FFE];
	_ =	sdelay $0x1  }
0x8a: {  	s1 =	srdreg.scid  }
0x8b: {  	s0 =	sand.u32 $0x1, s1  }
0x8c: {  	s17 =	sshll.u32 s0, $0xA;
	s2 =	sadd.s32 s3, s2  }
0x8d: {  	s2 =	sadd.s32 s2, s17  }
0x8e: {  	[smem:$0x3FC4] =	sst s2  }
0x8f: {  	_ = 	snop  }
0x90: {  	s2 =	sld [smem:$0x3FD0];
	(tm) =	ssettm $0x1  }
0x91: {  	s18 =	sld [smem:$0x3FFB];
	_ =	sdelay $0x3  }
0x92: {  	_ =	strace s18  }
0x93: {  	s3 =	sld [smem:$0x3FFC];
	_ =	sdelay $0x3  }
0x94: {  	_ =	strace s3  }
0x95: {  	s3 =	sld [smem:$0x3FFD];
	_ =	sdelay $0x3  }
0x96: {  	_ =	strace s3  }
0x97: {  	_ =	strace $0x8FFFFFFF  }
0x98: {  	s19 =	sld [smem:$0x3FDB];
	_ =	sdelay $0x1  }
0x99: {  	s4 =	simm.s32 $_scs_section_size  }
0x9a: {  	s5 =	simm.s32 $_size__tile_overlayer_lowered;
	s6 =	simm.s32 $_tile_overlayer_lowered  }
0x9b: {  	s22 =	simm.s32 $0x1BFF;
	s21 =	sshll.u32 s6, $0x1;
	s3 =	sadd.s32 s4, s19  }
0x9c: {  	s7 =	simm.s32 $0x0;
	s20 =	sshll.u32 s5, $0x1;
	s5 =	sadd.s32 s21, s3  }
0x9d: {  	[timem:s7], [sflag:s22] =	dma.local [hbm:s5], s20  }
0x9e: {  	_ =	swait.ge [sflag:s22], s20  }
0x9f: {  	s4 =	ssub.s32 $0x0, s20;
	[sflag:s22] =	ssyncset.done $0x0  }
0xa0: {  	[sflag:s22] =	ssyncadd.s32 s4;
	_ =	sdelay $0x1  }
0xa1: {  	s23 =	simm.s32 $0x1B8B  }
0xa2: {  	_ =	swait.ge [sflag:s23], $0x1  }
0xa3: {  	[sflag:s23] =	ssyncset.done $0x0  }
0xa4: {  	s25 =	simm.s32 $0x1B8E;
	s24 =	sld [smem:$0x3FFE];
	[sflag:s23] =	ssyncadd.s32 $0xFFFFFFFF  }
0xa5: {  	s26 =	simm.s32 $execute0_lowered;
	[smem:$0x3FD2] =	sst s25  }
0xa6: {  	s5 =	sshll.u32 s26, $0x1;
	_ =	strace $0x8000004C;
	[dreg:$0x1] =	wrdreg $0xFFFFFFFF  }
0xa7: {  	s28 =	simm.s32 $_size_execute0_lowered;
	s3 =	sadd.s32 s3, s5;
	[dreg:$0x0] =	wrdreg $0x0  }
0xa8: {  	s5 =	sshll.u32 s28, $0x1;
	[dreg:$0x2] =	wrdreg s3  }
0xa9: {  	[dreg:$0x3] =	wrdreg s5  }
0xaa: {  	[dreg:$0x4] =	wrdreg $0xC0  }
0xab: {  	_ =	task [dreg:s7], $0x5FFFF  }
0xac: {  	[dreg:$0x1] =	wrdreg $0xFFFFFFFF  }
0xad: {  	[dreg:$0x0] =	wrdreg $0x60  }
0xae: {  	[dreg:$0x2] =	wrdreg s2  }
0xaf: {  	[dreg:$0x3] =	wrdreg s24  }
0xb0: {  	[dreg:$0x4] =	wrdreg $0xA9000  }
0xb1: {  	[dreg:$0x5] =	wrdreg $0x9  }
0xb2: {  	_ =	task.clear_ibuf [dreg:s7], $0x6FFFF;
	_ =	strace $0x9000004C  }
0xb3: {  	s29 =	simm.s32 $0x9;
	_ =	strace $0x8000004E  }
0xb4: {  	_ =	swait.ge [sflag:s29], $0x1  }
0xb5: {  	[sflag:s29] =	ssyncadd.s32 $0xFFFFFFFF  }
0xb6: {  	_ =	strace $0x9000004E  }
0xb7: {  	_ =	sfence  }
0xb8: {  	s30 =	sld [smem:$0x0];
	_ =	sdelay $0x2  }
0xb9: {  	s31 =	sshll.u32 s1, $0xD;
	s1 =	sshrl.u32 s1, $0x2  }
0xba: {  	s3 =	sand.u32 $0x4000, s31;
	s1 =	sadd.s32 s1, s30  }
0xbb: {  	s0 =	sor.u32 s3, s0;
	s1 =	sshll.u32 s1, $0x11  }
0xbc: {  	s0 =	sor.u32 s1, s0  }
0xbd: {  	s0 =	sadd.s32 $0x8F2B, s0  }
0xbe: {  	[sflag:s0] =	ssyncadd.remote.s32 $0x1  }
0xbf: {  	_ =	sfence.sel $0xFFFF  }
0xc0: {  	[dreg:$0x0] =	wrdreg $0xFFFFFFFF;
	(pc) =	sbr.abs _section_cstart, $3  }
0xc1: {  	[dreg:$0x1] =	wrdreg $0xFFFFFFFF  }
0xc2: {  	_ =	task.clear_ibuf [dreg:s7], $0x2FFFF;
	_ =	strace $0x9FFFFFFF  }
0xc3: {  	(tm) =	ssettm $0x7FFFFFFF  }
tec
execute0_lowered:
.L_overlay_start_1:
0x0: {  	(tag) =	ssettag $0x1  }
0x1: {  	s1 =	rddreg [dreg:$0x0]  }
0x2: {  	s0 =	srdreg.scid;
	s8 =	rddreg [dreg:$0x1]  }
0x3: {  	s25 =	stileid.u32;
	s3 =	rddreg [dreg:$0x2];
	s18 =	simm.s32 $0x2900  }
0x4: {  	s19 =	simm.s32 $0x5;
	s20 =	simm.s32 $0x80;
	s21 =	simm.s32 $0x6900  }
0x5: {  	s22 =	simm.s32 $0x2800;
	s23 =	simm.s32 $0x2880;
	s24 =	simm.s32 $0x1  }
0x6: {  	s28 =	simm.s32 $0x4;
	s29 =	simm.s32 $0x0;
	s10 =	smul.u32 $0x14000, s25  }
0x7: {  	s2 =	sand.u32 $0x1, s0;
	s6 =	sadd.s32 $0x2000, s8;
	s11 =	smul.u32 $0x50000, s25  }
0x8: {  	s26 =	sadd.s32 $0xC000, s8;
	s4 =	sshll.u32 s2, $0x4;
	s9 =	smul.u32 $0x140000, s2  }
0x9: {  	s2 =	ssub.s32 $0x2, s2;
	s5 =	sor.u32 s25, s4;
	s4 =	simm.s32 $0x0  }
0xa: {  	s30 =	sshrl.u32 s11, $0x2;
	s31 =	sshrl.u32 s2, $0x1;
	s25 =	simm.s32 $0x3  }
0xb: {  	s5 =	smul.u32 $0x2800, s5;
	[smem:$0x7FF] =	sst s4;
	s9 =	sadd.s32 s10, s9  }
0xc: {  	s2 =	ssub.s32 s2, s31;
	_ =	strace $0x8000004D;
	[dreg:$0x4] =	wrdreg s26  }
0xd: {  	s9 =	sshrl.u32 s9, $0x3;
	s17 =	smax.u32 s2, $0x1;
	s13 =	sshrl.u32 s5, $0x3  }
0xe: {  	s26 =	simm.s32 $0x2;
	s16 =	sadd.s32 s9, s8;
	s14 =	sadd.s32 s13, s8  }
0xf: {  	s8 =	sadd.s32 s30, s3;
	s13 =	sadd.s32 s6, s13;
	s16 =	sadd.s32 $0xC800, s16  }
0x10: {  	s9 =	sadd.s32 $0x4000, s8;
	s10 =	sadd.s32 $0x8000, s8;
	s11 =	sadd.s32 $0xC000, s8  }
0x11: {  	s12 =	sadd.s32 $0x10000, s8;
	s14 =	sadd.s32 $0x5C800, s14;
	s15 =	sadd.s32 $0x10, s13  }
.LBB2_1:
0x12: {  	s0 =	rddreg [dreg:$0x4]  }
0x13: {  	[tilespmem:s18], [sflag:$0x5] =	stream.linear.gather [hbm4b:s0+s4], $0x4000, $0x38;
	[tilespmem:$0x1E900] =	vst v63  }
0x14: {  	_ =	swait.ge [sflag:s19], $0x4000  }
0x15: {  	[sflag:s19] =	ssyncset.done $0x0  }
0x16: {  	[sflag:s19] =	ssyncadd.s32 $0xFFFFC000  }
0x17: {  	[spmem:s8] =	stream.linear.scatter [tilespmem:s18], [sflag:$0x5], $0x4000, $0x38;
	[tilespmem:$0x1E900] =	vst v63  }
0x18: {  	_ =	swait.ge [sflag:s19], $0x4000  }
0x19: {  	[sflag:s19] =	ssyncset.done $0x0  }
0x1a: {  	[sflag:s19] =	ssyncadd.s32 $0xFFFFC000  }
0x1b: {  	[spmem:s9] =	stream.linear.scatter [tilespmem:s18], [sflag:$0x5], $0x4000, $0x38;
	[tilespmem:$0x1E900] =	vst v63  }
0x1c: {  	_ =	swait.ge [sflag:s19], $0x4000  }
0x1d: {  	[sflag:s19] =	ssyncset.done $0x0  }
0x1e: {  	[sflag:s19] =	ssyncadd.s32 $0xFFFFC000  }
0x1f: {  	[spmem:s10] =	stream.linear.scatter [tilespmem:s18], [sflag:$0x5], $0x4000, $0x38;
	[tilespmem:$0x1E900] =	vst v63  }
0x20: {  	_ =	swait.ge [sflag:s19], $0x4000  }
0x21: {  	[sflag:s19] =	ssyncset.done $0x0  }
0x22: {  	[sflag:s19] =	ssyncadd.s32 $0xFFFFC000  }
0x23: {  	[spmem:s11] =	stream.linear.scatter [tilespmem:s18], [sflag:$0x5], $0x4000, $0x38;
	[tilespmem:$0x1E900] =	vst v63  }
0x24: {  	_ =	swait.ge [sflag:s19], $0x4000  }
0x25: {  	[sflag:s19] =	ssyncset.done $0x0  }
0x26: {  	[sflag:s19] =	ssyncadd.s32 $0xFFFFC000  }
0x27: {  	[spmem:s12] =	stream.linear.scatter [tilespmem:s18], [sflag:$0x5], $0x4000, $0x38;
	[tilespmem:$0x1E900] =	vst v63  }
0x28: {  	_ =	swait.ge [sflag:s19], $0x4000  }
0x29: {  	[sflag:s19] =	ssyncset.done $0x0  }
0x2a: {  	[sflag:s19] =	ssyncadd.s32 $0xFFFFC000  }
0x2b: {  	[tilespmem:s4], [sflag:$0x5] =	stream.linear.gather [hbm4b:s14+s4], $0x2800, $0x38;
	[tilespmem:$0x1E900] =	vst v63  }
0x2c: {  	_ =	swait.ge [sflag:s19], $0x2800  }
0x2d: {  	[sflag:s19] =	ssyncset.done $0x0  }
0x2e: {  	[sflag:s19] =	ssyncadd.s32 $0xFFFFD800  }
0x2f: {  	[bflag:$0x0] =	sbarrier.arrive $0xFFFF  }
0x30: {  	[tilespmem:s18], [sflag:$0x1] =	stream.indirect.gather [hbm4b:s1+s20], $0x80, s4, s20, $0xb8;
	[tilespmem:$0x1E900] =	vst v63  }
0x31: {  	_ = 	snop  }
0x32: {  	[tilespmem:s21], [sflag:$0x2] =	stream.indirect.gather [hbm4b:s1+s20], $0x80, s20, s20, $0xb8;
	[tilespmem:$0x1E900] =	vst v63  }
0x33: {  	_ = 	snop  }
0x34: {  	[tilespmem:s22], [sflag:$0x3] =	stream.linear.gather [hbm4b:s13+s4], $0x80, $0x38;
	[tilespmem:$0x1E900] =	vst v63  }
0x35: {  	_ = 	snop  }
0x36: {  	[tilespmem:s23], [sflag:$0x4] =	stream.linear.gather [hbm4b:s15+s4], $0x80, $0x38;
	[tilespmem:$0x1E900] =	vst v63  }
0x37: {  	_ =	swait.ge [sflag:s24], $0x4000  }
0x38: {  	[sflag:s24] =	ssyncset.done $0x0  }
0x39: {  	[sflag:s24] =	ssyncadd.s32 $0xFFFFC000  }
0x3a: {  	_ =	swait.ge [sflag:s25], $0x80  }
0x3b: {  	s2 =	simm.s32 $0x100;
	[sflag:s25] =	ssyncset.done $0x0  }
0x3c: {  	s30 =	sand.u32 $0x7C00, s2;
	[sflag:s25] =	ssyncadd.s32 $0xFFFFFF80  }
0x3d: {  	[spmem:s3] =	stream.indirect.scatter.add.f32 [tilespmem:s18], [sflag:$0x5], $0x80, s22, s20, $0xb8;
	[tilespmem:$0x1E900] =	vst v63  }
0x3e: {  	s2 =	sand.u32 $0x300, s2;
	s31 =	sadd.s32 s5, s30;
	_ =	swait.ge [sflag:s19], $0x4000  }
0x3f: {  	s2 =	sor.u32 s2, s31;
	[sflag:s19] =	ssyncset.done $0x0  }
0x40: {  	s30 =	simm.s32 $0x100;
	s2 =	sshrl.u32 s2, $0x3;
	[sflag:s19] =	ssyncadd.s32 $0xFFFFC000  }
0x41: {  	[tilespmem:s18], [sflag:$0x1] =	stream.indirect.gather [hbm4b:s1+s20], $0x80, s30, s20, $0xb8;
	[tilespmem:$0x1E900] =	vst v63  }
0x42: {  	s2 =	sadd.s32 s6, s2  }
0x43: {  	[tilespmem:s22], [sflag:$0x3] =	stream.linear.gather [hbm4b:s2+s4], $0x80, $0x38;
	[tilespmem:$0x1E900] =	vst v63  }
0x44: {  	_ =	swait.ge [sflag:s26], $0x4000  }
0x45: {  	[sflag:s26] =	ssyncset.done $0x0  }
0x46: {  	[sflag:s26] =	ssyncadd.s32 $0xFFFFC000  }
0x47: {  	_ =	swait.ge [sflag:s28], $0x80  }
0x48: {  	[sflag:s28] =	ssyncset.done $0x0  }
0x49: {  	[sflag:s28] =	ssyncadd.s32 $0xFFFFFF80  }
0x4a: {  	[spmem:s3] =	stream.indirect.scatter.add.f32 [tilespmem:s21], [sflag:$0x5], $0x80, s23, s20, $0xb8;
	[tilespmem:$0x1E900] =	vst v63  }
0x4b: {  	_ =	swait.ge [sflag:s19], $0x4000  }
0x4c: {  	[sflag:s19] =	ssyncset.done $0x0  }
0x4d: {  	s7 =	simm.s32 $0x180;
	s31 =	simm.s32 $0x180;
	[sflag:s19] =	ssyncadd.s32 $0xFFFFC000  }
0x4e: {  	[tilespmem:s21], [sflag:$0x2] =	stream.indirect.gather [hbm4b:s1+s20], $0x80, s31, s20, $0xb8;
	[tilespmem:$0x1E900] =	vst v63  }
0x4f: {  	s31 =	sand.u32 $0x7C00, s7  }
0x50: {  	s2 =	sand.u32 $0x380, s7;
	s31 =	sadd.s32 s5, s31  }
0x51: {  	s2 =	sor.u32 s2, s31  }
0x52: {  	s31 =	simm.s32 $0x280;
	s2 =	sshrl.u32 s2, $0x3  }
.LBB2_2:
0x53: {  	p0 =	sne.s32 s31, $0x2780;
	s2 =	sadd.s32 s6, s2;
	s30 =	sadd.s32 $0x100, s30  }
0x54: {  	[tilespmem:s23], [sflag:$0x4] =	stream.linear.gather [hbm4b:s2+s4], $0x80, $0x38;
	[tilespmem:$0x1E900] =	vst v63  }
0x55: {  	s2 =	smov.u32 s31;
	s31 =	sadd.s32 $0x100, s31;
	_ =	swait.ge [sflag:s24], $0x4000  }
0x56: {  	[sflag:s24] =	ssyncset.done $0x0  }
0x57: {  	[sflag:s24] =	ssyncadd.s32 $0xFFFFC000  }
0x58: {  	_ =	swait.ge [sflag:s25], $0x80  }
0x59: {  	[sflag:s25] =	ssyncset.done $0x0  }
0x5a: {  	s0 =	sadd.s32 $0xFFFFFF80, s2;
	[sflag:s25] =	ssyncadd.s32 $0xFFFFFF80  }
0x5b: {  	[spmem:s3] =	stream.indirect.scatter.add.f32 [tilespmem:s18], [sflag:$0x5], $0x80, s22, s20, $0xb8;
	[tilespmem:$0x1E900] =	vst v63  }
0x5c: {  	s7 =	sand.u32 $0x7C00, s0;
	_ =	swait.ge [sflag:s19], $0x4000  }
0x5d: {  	s0 =	sand.u32 $0x300, s0;
	s7 =	sadd.s32 s5, s7;
	[sflag:s19] =	ssyncset.done $0x0  }
0x5e: {  	s0 =	sor.u32 s0, s7;
	[sflag:s19] =	ssyncadd.s32 $0xFFFFC000  }
0x5f: {  	[tilespmem:s18], [sflag:$0x1] =	stream.indirect.gather [hbm4b:s1+s20], $0x80, s30, s20, $0xb8;
	[tilespmem:$0x1E900] =	vst v63  }
0x60: {  	s0 =	sshrl.u32 s0, $0x3  }
0x61: {  	s0 =	sadd.s32 s6, s0  }
0x62: {  	[tilespmem:s22], [sflag:$0x3] =	stream.linear.gather [hbm4b:s0+s4], $0x80, $0x38;
	[tilespmem:$0x1E900] =	vst v63  }
0x63: {  	_ =	swait.ge [sflag:s26], $0x4000  }
0x64: {  	[sflag:s26] =	ssyncset.done $0x0  }
0x65: {  	[sflag:s26] =	ssyncadd.s32 $0xFFFFC000  }
0x66: {  	_ =	swait.ge [sflag:s28], $0x80  }
0x67: {  	[sflag:s28] =	ssyncset.done $0x0  }
0x68: {  	s0 =	sand.u32 $0x7C00, s2;
	[sflag:s28] =	ssyncadd.s32 $0xFFFFFF80  }
0x69: {  	[spmem:s3] =	stream.indirect.scatter.add.f32 [tilespmem:s21], [sflag:$0x5], $0x80, s23, s20, $0xb8;
	[tilespmem:$0x1E900] =	vst v63  }
.Ltmp0:
0x6a: {  	_ = 	snop;
	(pc) =	sbr.rel @p0 .LBB2_2-.Ltmp0, $4  }
0x6b: {  	s2 =	sand.u32 $0x380, s2;
	s0 =	sadd.s32 s5, s0;
	_ =	swait.ge [sflag:s19], $0x4000  }
0x6c: {  	s0 =	sor.u32 s2, s0;
	[sflag:s19] =	ssyncset.done $0x0  }
0x6d: {  	s7 =	sadd.s32 $0x80, s30;
	s2 =	sshrl.u32 s0, $0x3;
	[sflag:s19] =	ssyncadd.s32 $0xFFFFC000  }
0x6e: {  	[tilespmem:s21], [sflag:$0x2] =	stream.indirect.gather [hbm4b:s1+s20], $0x80, s7, s20, $0xb8;
	[tilespmem:$0x1E900] =	vst v63  }
0x6f: {  	s0 =	sadd.s32 s6, s2  }
0x70: {  	[tilespmem:s23], [sflag:$0x4] =	stream.linear.gather [hbm4b:s0+s4], $0x80, $0x38;
	[tilespmem:$0x1E900] =	vst v63  }
0x71: {  	_ =	swait.ge [sflag:s24], $0x4000  }
0x72: {  	[sflag:s24] =	ssyncset.done $0x0  }
0x73: {  	[sflag:s24] =	ssyncadd.s32 $0xFFFFC000  }
0x74: {  	_ =	swait.ge [sflag:s25], $0x80  }
0x75: {  	[sflag:s25] =	ssyncset.done $0x0  }
0x76: {  	[sflag:s25] =	ssyncadd.s32 $0xFFFFFF80  }
0x77: {  	[spmem:s3] =	stream.indirect.scatter.add.f32 [tilespmem:s18], [sflag:$0x5], $0x80, s22, s20, $0xb8;
	[tilespmem:$0x1E900] =	vst v63  }
0x78: {  	_ =	swait.ge [sflag:s19], $0x4000  }
0x79: {  	[sflag:s19] =	ssyncset.done $0x0  }
0x7a: {  	[sflag:s19] =	ssyncadd.s32 $0xFFFFC000  }
0x7b: {  	_ =	swait.ge [sflag:s26], $0x4000  }
0x7c: {  	[sflag:s26] =	ssyncset.done $0x0  }
0x7d: {  	[sflag:s26] =	ssyncadd.s32 $0xFFFFC000  }
0x7e: {  	_ =	swait.ge [sflag:s28], $0x80  }
0x7f: {  	[sflag:s28] =	ssyncset.done $0x0  }
0x80: {  	[sflag:s28] =	ssyncadd.s32 $0xFFFFFF80  }
0x81: {  	[spmem:s3] =	stream.indirect.scatter.add.f32 [tilespmem:s21], [sflag:$0x5], $0x80, s23, s20, $0xb8;
	[tilespmem:$0x1E900] =	vst v63  }
0x82: {  	s30 =	stileid.u32;
	_ =	swait.ge [sflag:s19], $0x4000  }
0x83: {  	s31 =	sshrl.u32 s8, $0x3;
	s29 =	sadd.s32 $0x1, s29;
	[sflag:s19] =	ssyncset.done $0x0  }
0x84: {  	s0 =	sshll.u32 s30, $0x6;
	p0 =	sne.s32 s29, s17;
	[sflag:s19] =	ssyncadd.s32 $0xFFFFC000  }
.Ltmp1:
0x85: {  	s0 =	sor.u32 $0x1C05, s0;
	[bflag:$0x0] =	sbarrier.arrive $0xFFFF;
	(pc) =	sbr.rel @p0 .LBB2_1-.Ltmp1, $4  }
0x86: {  	[hbm:s16], [sflag:s0] =	dma.local [spmem:s31], $0x2800  }
0x87: {  	_ =	swait.ge [sflag:s19], $0x2800  }
0x88: {  	[sflag:s19] =	ssyncset.done $0x0  }
0x89: {  	[sflag:s19] =	ssyncadd.s32 $0xFFFFD800  }
0x8a: {  	_ =	sfence.sel $0x180000  }
0x8b: {  	[bflag:$0x0] =	sbarrier.arrive $0xFFFF  }
0x8c: {  	_ =	strace $0x9000004D  }
0x8d: {  	s0 =	stileid.u32;
	[bflag:$0x2] =	sbarrier.arrive $0xFFFF  }
0x8e: {  	p0 =	sne.s32 s0, $0x0;
	s0 =	rddreg [dreg:$0x3]  }
0x8f: {  	s0 =	sadd.s32 @!p0 $0x100000, s0  }
0x90: {  	[sflag:s0] =	ssyncadd.tile.s32 @!p0 $0x1;
	_ =	shalt  }
.Lfunc_end2:
_tile_overlayer_lowered:
.L_overlay_start_2:
0x91: {  	(tag) =	ssettag $0x2  }
0x92: {  	s0 =	rddreg [dreg:$0x0];
	s2 =	stileid.u32  }
0x93: {  	s1 =	rddreg [dreg:$0x1];
	p0 =	sne.s32 s2, $0x0  }
0x94: {  	s3 =	rddreg [dreg:$0x2];
	[bflag:$0x3] =	sbarrier.arrive $0xFFFF;
	s2 =	simm.s32 @!p0 $0x1C05  }
0x95: {  	[timem:s3], [sflag:s2] =	dma.local @!p0 [hbm:s0], s1  }
0x96: {  	s0 =	simm.s32 @!p0 $0x5  }
0x97: {  	_ =	swait.ge @!p0 [sflag:s0], s1  }
0x98: {  	s1 =	ssub.s32 @!p0 $0x0, s1;
	[sflag:s0] =	ssyncset.done @!p0 $0x0  }
0x99: {  	[sflag:s0] =	ssyncadd.s32 @!p0 s1  }
0x9a: {  	[bflag:$0x3] =	sbarrier.arrive $0xFFFF  }
0x9b: {  	_ =	shalt  }

// kernel: kernel.8.cloned.1.call-start
scs
__scs_entry_jumppad:
0x0: {  	(pc) =	sbr.rel $0x88, $3  }
0x1: {  	(tag) =	ssettag $0x0;
	lr =	simm.s32 $0x1  }
0x2: {  	[smem:$0x3F9D] =	sst lr;
	_ =	strace $0xD0000000  }
0x3: {  	_ = 	snop  }
0x4: {  	_ = 	snop  }
0x5: {  	_ = 	snop  }
0x6: {  	_ = 	snop  }
0x7: {  	_ = 	snop  }
__scs_overlays_trampoline_lowered:
0x8: {  	[smem:$0x3FAC] =	sst s0  }
0x9: {  	[smem:$0x3FAD] =	sst s1  }
0xa: {  	[smem:$0x3FAE] =	sst s2  }
0xb: {  	[smem:$0x3FAF] =	sst s3  }
0xc: {  	[smem:$0x3FB0] =	sst s4  }
0xd: {  	[smem:$0x3FB1] =	sst s5  }
0xe: {  	[smem:$0x3FB2] =	sst s6  }
0xf: {  	[smem:$0x3FB3] =	sst s7  }
0x10: {  	[smem:$0x3FB4] =	sst s8  }
0x11: {  	[smem:$0x3FB5] =	sst s9;
	s0 =	simm.s32 @!p0 $0x0  }
0x12: {  	s1 =	sld [smem:$0x3F9B];
	s0 =	simm.s32 @p0 $0x1  }
0x13: {  	[smem:$0x3FB6] =	sst s0;
	s0 =	simm.s32 @!p1 $0x0  }
0x14: {  	s2 =	sld [smem:$0x3F9A];
	s0 =	simm.s32 @p1 $0x1  }
0x15: {  	[smem:$0x3FB7] =	sst s0;
	s0 =	simm.s32 @!p2 $0x0  }
0x16: {  	s3 =	sld [smem:$0x3FDB];
	s0 =	simm.s32 @p2 $0x1  }
0x17: {  	s4 =	simm.s32 $0x1BF5;
	[smem:$0x3FB9] =	sst s0  }
0x18: {  	s0 =	sld [smem:$0x3F9C];
	_ =	swait.ge [sflag:s4], $0x0  }
0x19: {  	s7 =	sld [smem:$0x3F9D]  }
0x1a: {  	s8 =	sadd.s32 $0xFFFFE003, lr  }
0x1b: {  	s9 =	sadd.s32 $0xFFFFFEF7, lr;
	s5 =	simm.s32 $0xFFFFFFFF;
	p2 =	slt.u32 s8, $0xFFFFF086  }
0x1c: {  	p1 =	slt.u32 s9, $0xF7A;
	s5 =	simm.s32 @!p2 $0x0  }
0x1d: {  	s5 =	simm.s32 @p1 $0x1;
	p0 =	seq.s32 s7, s2  }
0x1e: {  	s7 =	smul.u32 @!p0 $0xF7A, s2;
	p2 =	seq.s32 @!p0 s5, $0x0  }
0x1f: {  	s9 =	smul.u32 $0xF7A, s1;
	s8 =	simm.s32 @!p0 $0x1BF5;
	p2 =	por !p2, p0  }
0x20: {  	[sflag:s8] =	ssyncset.s32 @!p0 $0xFFFFF086;
	s6 =	sadd.s32 @!p0 s3, s7;
	s7 =	simm.s32 @!p0 $0x108  }
0x21: {  	s3 =	sadd.s32 s3, s9;
	s6 =	sadd.s32 @!p0 $0x88, s6;
	s7 =	simm.s32 @p2 $0x1082  }
0x22: {  	[simem:s7], [sflag:s8] =	dma.local @!p0 [hbm:s6], $0xF7A  }
0x23: {  	s9 =	sor.u32 $0xD0000000, s2;
	s6 =	simm.s32 $0x108;
	_ =	swait.ge @!p0 [sflag:s8], $0x0  }
0x24: {  	s3 =	sadd.s32 $0x88, s3;
	s6 =	simm.s32 @!p1 $0x1082;
	[sflag:s4] =	ssyncset.s32 $0xFFFFF086  }
0x25: {  	[simem:s6], [sflag:s4] =	dma.local [hbm:s3], $0xF7A  }
0x26: {  	[smem:$0x3F9D] =	sst s1;
	(tag) =	ssettag s2;
	_ =	strace s9  }
0x27: {  	s1 =	sld [smem:$0x3FAD]  }
0x28: {  	s2 =	sld [smem:$0x3FAE]  }
0x29: {  	s4 =	sld [smem:$0x3FB0]  }
0x2a: {  	p0 =	seq.s32 s5, $0x0;
	s5 =	sld [smem:$0x3FB1]  }
0x2b: {  	s6 =	sld [smem:$0x3FB2]  }
0x2c: {  	s7 =	sld [smem:$0x3FB3]  }
0x2d: {  	s3 =	simm.s32 $0x108;
	s8 =	sld [smem:$0x3FB4]  }
0x2e: {  	s3 =	simm.s32 @!p0 $0x1082;
	s9 =	sld [smem:$0x3FB5]  }
0x2f: {  	lr =	sadd.s32 s0, s3;
	s0 =	sld [smem:$0x3FAC]  }
0x30: {  	s3 =	sld [smem:$0x3FAF]  }
0x31: {  	[smem:$0x3FB8] =	sst s10  }
0x32: {  	s10 =	sld [smem:$0x3FB6];
	_ =	sdelay $0x3  }
0x33: {  	p0 =	seq.s32 s10, $0x1;
	s10 =	sld [smem:$0x3FB8];
	_ =	sdelay $0x3  }
0x34: {  	[smem:$0x3FB8] =	sst s10  }
0x35: {  	s10 =	sld [smem:$0x3FB7];
	_ =	sdelay $0x3  }
0x36: {  	p1 =	seq.s32 s10, $0x1;
	s10 =	sld [smem:$0x3FB8];
	_ =	sdelay $0x3  }
0x37: {  	[smem:$0x3FB8] =	sst s10  }
0x38: {  	s10 =	sld [smem:$0x3FB9]  }
0x39: {  	_ = 	snop;
	(pc) =	sbr.ind lr, $3  }
0x3a: {  	_ = 	snop  }
0x3b: {  	_ = 	snop  }
0x3c: {  	p2 =	seq.s32 s10, $0x1;
	s10 =	sld [smem:$0x3FB8]  }
0x3d: {  	_ =	shalt  }
0x3e: {  	_ =	shalt  }
0x3f: {  	_ =	shalt  }
0x40: {  	_ =	shalt  }
0x41: {  	_ =	shalt  }
0x42: {  	_ =	shalt  }
0x43: {  	_ =	shalt  }
0x44: {  	_ =	shalt  }
0x45: {  	_ =	shalt  }
0x46: {  	_ =	shalt  }
0x47: {  	_ =	shalt  }
0x48: {  	_ =	shalt  }
0x49: {  	_ =	shalt  }
0x4a: {  	_ =	shalt  }
0x4b: {  	_ =	shalt  }
0x4c: {  	_ =	shalt  }
0x4d: {  	_ =	shalt  }
0x4e: {  	_ =	shalt  }
0x4f: {  	_ =	shalt  }
0x50: {  	_ =	shalt  }
0x51: {  	_ =	shalt  }
0x52: {  	_ =	shalt  }
0x53: {  	_ =	shalt  }
0x54: {  	_ =	shalt  }
0x55: {  	_ =	shalt  }
0x56: {  	_ =	shalt  }
0x57: {  	_ =	shalt  }
0x58: {  	_ =	shalt  }
0x59: {  	_ =	shalt  }
0x5a: {  	_ =	shalt  }
0x5b: {  	_ =	shalt  }
0x5c: {  	_ =	shalt  }
0x5d: {  	_ =	shalt  }
0x5e: {  	_ =	shalt  }
0x5f: {  	_ =	shalt  }
0x60: {  	_ =	shalt  }
0x61: {  	_ =	shalt  }
0x62: {  	_ =	shalt  }
0x63: {  	_ =	shalt  }
0x64: {  	_ =	shalt  }
0x65: {  	_ =	shalt  }
0x66: {  	_ =	shalt  }
0x67: {  	_ =	shalt  }
0x68: {  	_ =	shalt  }
0x69: {  	_ =	shalt  }
0x6a: {  	_ =	shalt  }
0x6b: {  	_ =	shalt  }
0x6c: {  	_ =	shalt  }
0x6d: {  	_ =	shalt  }
0x6e: {  	_ =	shalt  }
0x6f: {  	_ =	shalt  }
0x70: {  	_ =	shalt  }
0x71: {  	_ =	shalt  }
0x72: {  	_ =	shalt  }
0x73: {  	_ =	shalt  }
0x74: {  	_ =	shalt  }
0x75: {  	_ =	shalt  }
0x76: {  	_ =	shalt  }
0x77: {  	_ =	shalt  }
0x78: {  	_ =	shalt  }
0x79: {  	_ =	shalt  }
0x7a: {  	_ =	shalt  }
0x7b: {  	_ =	shalt  }
0x7c: {  	_ =	shalt  }
0x7d: {  	_ =	shalt  }
0x7e: {  	_ =	shalt  }
0x7f: {  	_ =	shalt  }
0x80: {  	_ =	shalt  }
0x81: {  	_ =	shalt  }
0x82: {  	_ =	shalt  }
0x83: {  	_ =	shalt  }
0x84: {  	_ =	shalt  }
0x85: {  	_ =	shalt  }
0x86: {  	_ =	shalt  }
0x87: {  	_ =	shalt  }
.Lfunc_end0:
.L_simem_size_0:
called_computation_lowered:
.L_overlay_start_0:
0x88: {  	s2 =	sld [smem:$0x3FD9]  }
0x89: {  	s3 =	sld [smem:$0x3FFE];
	_ =	sdelay $0x1  }
0x8a: {  	s1 =	srdreg.scid  }
0x8b: {  	s0 =	sand.u32 $0x1, s1  }
0x8c: {  	s17 =	sshll.u32 s0, $0xA;
	s2 =	sadd.s32 s3, s2  }
0x8d: {  	s2 =	sadd.s32 s2, s17  }
0x8e: {  	[smem:$0x3FC4] =	sst s2  }
0x8f: {  	_ = 	snop  }
0x90: {  	s2 =	sld [smem:$0x3FD0];
	(tm) =	ssettm $0x1  }
0x91: {  	s18 =	sld [smem:$0x3FFB];
	_ =	sdelay $0x3  }
0x92: {  	_ =	strace s18  }
0x93: {  	s3 =	sld [smem:$0x3FFC];
	_ =	sdelay $0x3  }
0x94: {  	_ =	strace s3  }
0x95: {  	s3 =	sld [smem:$0x3FFD];
	_ =	sdelay $0x3  }
0x96: {  	_ =	strace s3  }
0x97: {  	_ =	strace $0x8FFFFFFF  }
0x98: {  	s19 =	sld [smem:$0x3FDB];
	_ =	sdelay $0x1  }
0x99: {  	s4 =	simm.s32 $_scs_section_size  }
0x9a: {  	s5 =	simm.s32 $_size__tile_overlayer_lowered;
	s6 =	simm.s32 $_tile_overlayer_lowered  }
0x9b: {  	s22 =	simm.s32 $0x1BFF;
	s21 =	sshll.u32 s6, $0x1;
	s3 =	sadd.s32 s4, s19  }
0x9c: {  	s7 =	simm.s32 $0x0;
	s20 =	sshll.u32 s5, $0x1;
	s5 =	sadd.s32 s21, s3  }
0x9d: {  	[timem:s7], [sflag:s22] =	dma.local [hbm:s5], s20  }
0x9e: {  	_ =	swait.ge [sflag:s22], s20  }
0x9f: {  	s4 =	ssub.s32 $0x0, s20;
	[sflag:s22] =	ssyncset.done $0x0  }
0xa0: {  	[sflag:s22] =	ssyncadd.s32 s4;
	_ =	sdelay $0x1  }
0xa1: {  	s23 =	simm.s32 $0x1B8B  }
0xa2: {  	_ =	swait.ge [sflag:s23], $0x1  }
0xa3: {  	[sflag:s23] =	ssyncset.done $0x0  }
0xa4: {  	s25 =	simm.s32 $0x1B8E;
	s24 =	sld [smem:$0x3FFE];
	[sflag:s23] =	ssyncadd.s32 $0xFFFFFFFF  }
0xa5: {  	s26 =	simm.s32 $execute0_lowered;
	[smem:$0x3FD2] =	sst s25  }
0xa6: {  	s5 =	sshll.u32 s26, $0x1;
	_ =	strace $0x80000046;
	[dreg:$0x1] =	wrdreg $0xFFFFFFFF  }
0xa7: {  	s28 =	simm.s32 $_size_execute0_lowered;
	s3 =	sadd.s32 s3, s5;
	[dreg:$0x0] =	wrdreg $0x0  }
0xa8: {  	s5 =	sshll.u32 s28, $0x1;
	[dreg:$0x2] =	wrdreg s3  }
0xa9: {  	[dreg:$0x3] =	wrdreg s5  }
0xaa: {  	[dreg:$0x4] =	wrdreg $0xC0  }
0xab: {  	_ =	task [dreg:s7], $0x5FFFF  }
0xac: {  	[dreg:$0x1] =	wrdreg $0xFFFFFFFF  }
0xad: {  	[dreg:$0x0] =	wrdreg $0x60  }
0xae: {  	[dreg:$0x2] =	wrdreg s24  }
0xaf: {  	[dreg:$0x3] =	wrdreg s2  }
0xb0: {  	[dreg:$0x4] =	wrdreg $0x41000  }
0xb1: {  	[dreg:$0x5] =	wrdreg $0x9  }
0xb2: {  	_ =	task.clear_ibuf [dreg:s7], $0x6FFFF;
	_ =	strace $0x90000046  }
0xb3: {  	s29 =	simm.s32 $0x9;
	_ =	strace $0x80000048  }
0xb4: {  	_ =	swait.ge [sflag:s29], $0x1  }
0xb5: {  	[sflag:s29] =	ssyncadd.s32 $0xFFFFFFFF  }
0xb6: {  	_ =	strace $0x90000048  }
0xb7: {  	_ =	sfence  }
0xb8: {  	s30 =	sld [smem:$0x0];
	_ =	sdelay $0x2  }
0xb9: {  	s31 =	sshll.u32 s1, $0xD;
	s1 =	sshrl.u32 s1, $0x2  }
0xba: {  	s3 =	sand.u32 $0x4000, s31;
	s1 =	sadd.s32 s1, s30  }
0xbb: {  	s0 =	sor.u32 s3, s0;
	s1 =	sshll.u32 s1, $0x11  }
0xbc: {  	s0 =	sor.u32 s1, s0  }
0xbd: {  	s0 =	sadd.s32 $0x8F2B, s0  }
0xbe: {  	[sflag:s0] =	ssyncadd.remote.s32 $0x1  }
0xbf: {  	_ =	sfence.sel $0xFFFF  }
0xc0: {  	[dreg:$0x0] =	wrdreg $0xFFFFFFFF;
	(pc) =	sbr.abs _section_cstart, $3  }
0xc1: {  	[dreg:$0x1] =	wrdreg $0xFFFFFFFF  }
0xc2: {  	_ =	task.clear_ibuf [dreg:s7], $0x2FFFF;
	_ =	strace $0x9FFFFFFF  }
0xc3: {  	(tm) =	ssettm $0x7FFFFFFF  }
tec
execute0_lowered:
.L_overlay_start_1:
0x0: {  	(tag) =	ssettag $0x1  }
0x1: {  	s8 =	rddreg [dreg:$0x0]  }
0x2: {  	s1 =	rddreg [dreg:$0x1]  }
0x3: {  	s2 =	rddreg [dreg:$0x2]  }
0x4: {  	s3 =	srdreg.scid;
	s0 =	rddreg [dreg:$0x3]  }
0x5: {  	s4 =	simm.s32 $0x0;
	s17 =	simm.s32 $0x100;
	s18 =	simm.s32 $0x3  }
0x6: {  	s19 =	simm.s32 $0x80;
	s20 =	simm.s32 $0x1;
	s21 =	simm.s32 $0x2  }
0x7: {  	s24 =	simm.s32 $0x0;
	s7 =	sand.u32 $0x1, s3;
	s3 =	stileid.u32  }
0x8: {  	[smem:$0x7FF] =	sst s4;
	s5 =	sadd.s32 $0x2000, s8;
	s9 =	smul.u32 $0x140000, s7  }
0x9: {  	s6 =	sadd.s32 $0xC000, s8;
	s10 =	smul.u32 $0x14000, s3;
	_ =	strace $0x80000047  }
0xa: {  	s29 =	sshll.u32 s7, $0x4;
	s11 =	smul.u32 $0x50000, s3;
	s12 =	ssub.s32 $0x2, s7  }
0xb: {  	s22 =	sshll.u32 s3, $0x6;
	s30 =	sor.u32 s3, s29;
	s31 =	sshrl.u32 s12, $0x1  }
0xc: {  	s22 =	sor.u32 $0x1C03, s22;
	s9 =	sadd.s32 s10, s9;
	s11 =	sshrl.u32 s11, $0x2  }
0xd: {  	s7 =	smul.u32 $0x2800, s30;
	s16 =	ssub.s32 s12, s31;
	s9 =	sshrl.u32 s9, $0x3  }
0xe: {  	s16 =	smax.u32 s16, $0x1;
	s15 =	sadd.s32 s9, s8;
	s8 =	sadd.s32 s11, s2  }
0xf: {  	s13 =	sshrl.u32 s7, $0x3;
	s9 =	sadd.s32 $0x4000, s8;
	s10 =	sadd.s32 $0x8000, s8  }
0x10: {  	s11 =	sadd.s32 $0xC000, s8;
	s12 =	sadd.s32 $0x10000, s8;
	s13 =	sadd.s32 s5, s13  }
0x11: {  	s15 =	sadd.s32 $0xC800, s15;
	s23 =	sshrl.u32 s8, $0x3;
	s14 =	sadd.s32 $0x10, s13  }
.LBB2_1:
0x12: {  	[tilespmem:s17], [sflag:$0x3] =	stream.linear.gather [hbm4b:s6+s4], $0x4000, $0x38;
	[tilespmem:$0x18100] =	vst v63  }
0x13: {  	_ =	swait.ge [sflag:s18], $0x4000  }
0x14: {  	[sflag:s18] =	ssyncset.done $0x0  }
0x15: {  	[sflag:s18] =	ssyncadd.s32 $0xFFFFC000  }
0x16: {  	[spmem:s8] =	stream.linear.scatter [tilespmem:s17], [sflag:$0x3], $0x4000, $0x38;
	[tilespmem:$0x18100] =	vst v63  }
0x17: {  	_ =	swait.ge [sflag:s18], $0x4000  }
0x18: {  	[sflag:s18] =	ssyncset.done $0x0  }
0x19: {  	[sflag:s18] =	ssyncadd.s32 $0xFFFFC000  }
0x1a: {  	[spmem:s9] =	stream.linear.scatter [tilespmem:s17], [sflag:$0x3], $0x4000, $0x38;
	[tilespmem:$0x18100] =	vst v63  }
0x1b: {  	_ =	swait.ge [sflag:s18], $0x4000  }
0x1c: {  	[sflag:s18] =	ssyncset.done $0x0  }
0x1d: {  	[sflag:s18] =	ssyncadd.s32 $0xFFFFC000  }
0x1e: {  	[spmem:s10] =	stream.linear.scatter [tilespmem:s17], [sflag:$0x3], $0x4000, $0x38;
	[tilespmem:$0x18100] =	vst v63  }
0x1f: {  	_ =	swait.ge [sflag:s18], $0x4000  }
0x20: {  	[sflag:s18] =	ssyncset.done $0x0  }
0x21: {  	[sflag:s18] =	ssyncadd.s32 $0xFFFFC000  }
0x22: {  	[spmem:s11] =	stream.linear.scatter [tilespmem:s17], [sflag:$0x3], $0x4000, $0x38;
	[tilespmem:$0x18100] =	vst v63  }
0x23: {  	_ =	swait.ge [sflag:s18], $0x4000  }
0x24: {  	[sflag:s18] =	ssyncset.done $0x0  }
0x25: {  	[sflag:s18] =	ssyncadd.s32 $0xFFFFC000  }
0x26: {  	[spmem:s12] =	stream.linear.scatter [tilespmem:s17], [sflag:$0x3], $0x4000, $0x38;
	[tilespmem:$0x18100] =	vst v63  }
0x27: {  	_ =	swait.ge [sflag:s18], $0x4000  }
0x28: {  	[sflag:s18] =	ssyncset.done $0x0  }
0x29: {  	[sflag:s18] =	ssyncadd.s32 $0xFFFFC000  }
0x2a: {  	[tilespmem:s17], [sflag:$0x3] =	stream.linear.gather [hbm4b:s1+s4], $0x4000, $0x38;
	[tilespmem:$0x18100] =	vst v63  }
0x2b: {  	_ =	swait.ge [sflag:s18], $0x4000  }
0x2c: {  	[sflag:s18] =	ssyncset.done $0x0  }
0x2d: {  	[sflag:s18] =	ssyncadd.s32 $0xFFFFC000  }
0x2e: {  	[bflag:$0x0] =	sbarrier.arrive $0xFFFF  }
0x2f: {  	[tilespmem:s4], [sflag:$0x1] =	stream.linear.gather [hbm4b:s13+s4], $0x80, $0x38;
	[tilespmem:$0x18100] =	vst v63  }
0x30: {  	_ = 	snop  }
0x31: {  	[tilespmem:s19], [sflag:$0x2] =	stream.linear.gather [hbm4b:s14+s4], $0x80, $0x38;
	[tilespmem:$0x18100] =	vst v63  }
0x32: {  	s25 =	simm.s32 $0x100;
	_ =	swait.ge [sflag:s20], $0x80  }
0x33: {  	s26 =	sand.u32 $0x7C00, s25;
	[sflag:s20] =	ssyncset.done $0x0  }
0x34: {  	s25 =	sand.u32 $0x300, s25;
	s26 =	sadd.s32 s7, s26;
	[sflag:s20] =	ssyncadd.s32 $0xFFFFFF80  }
0x35: {  	[spmem:s2] =	stream.indirect.scatter.add.f32 [tilespmem:s17], [sflag:$0x3], $0x80, s4, s19, $0xb8;
	[tilespmem:$0x18100] =	vst v63  }
0x36: {  	s25 =	sor.u32 s25, s26;
	_ =	swait.ge [sflag:s18], $0x4000  }
0x37: {  	s25 =	sshrl.u32 s25, $0x3;
	[sflag:s18] =	ssyncset.done $0x0  }
0x38: {  	s25 =	sadd.s32 s5, s25;
	[sflag:s18] =	ssyncadd.s32 $0xFFFFC000  }
0x39: {  	[tilespmem:s4], [sflag:$0x1] =	stream.linear.gather [hbm4b:s25+s4], $0x80, $0x38;
	[tilespmem:$0x18100] =	vst v63  }
0x3a: {  	s30 =	simm.s32 $0x180;
	_ =	swait.ge [sflag:s21], $0x80  }
0x3b: {  	s31 =	sand.u32 $0x7C00, s30;
	[sflag:s21] =	ssyncset.done $0x0  }
0x3c: {  	s26 =	sadd.s32 s7, s31;
	s25 =	sand.u32 $0x380, s30;
	[sflag:s21] =	ssyncadd.s32 $0xFFFFFF80  }
0x3d: {  	[spmem:s2] =	stream.indirect.scatter.add.f32 [tilespmem:s17], [sflag:$0x3], $0x80, s19, s19, $0xb8;
	[tilespmem:$0x18100] =	vst v63  }
0x3e: {  	s26 =	sor.u32 s25, s26;
	_ =	swait.ge [sflag:s18], $0x4000  }
0x3f: {  	s25 =	simm.s32 $0x280;
	s26 =	sshrl.u32 s26, $0x3;
	[sflag:s18] =	ssyncset.done $0x0  }
.LBB2_2:
0x40: {  	p0 =	sne.s32 s25, $0x2780  }
0x41: {  	[sflag:s18] =	ssyncadd.s32 $0xFFFFC000;
	s26 =	sadd.s32 s5, s26;
	s28 =	smov.u32 s25  }
0x42: {  	[tilespmem:s19], [sflag:$0x2] =	stream.linear.gather [hbm4b:s26+s4], $0x80, $0x38;
	[tilespmem:$0x18100] =	vst v63  }
0x43: {  	s25 =	sadd.s32 $0x100, s25;
	s26 =	sadd.s32 $0xFFFFFF80, s28;
	_ =	swait.ge [sflag:s20], $0x80  }
0x44: {  	s29 =	sand.u32 $0x7C00, s26;
	s26 =	sand.u32 $0x300, s26;
	[sflag:s20] =	ssyncset.done $0x0  }
0x45: {  	s29 =	sadd.s32 s7, s29;
	[sflag:s20] =	ssyncadd.s32 $0xFFFFFF80  }
0x46: {  	[spmem:s2] =	stream.indirect.scatter.add.f32 [tilespmem:s17], [sflag:$0x3], $0x80, s4, s19, $0xb8;
	[tilespmem:$0x18100] =	vst v63  }
0x47: {  	s26 =	sor.u32 s26, s29;
	_ =	swait.ge [sflag:s18], $0x4000  }
0x48: {  	s26 =	sshrl.u32 s26, $0x3;
	[sflag:s18] =	ssyncset.done $0x0  }
0x49: {  	s26 =	sadd.s32 s5, s26;
	[sflag:s18] =	ssyncadd.s32 $0xFFFFC000  }
0x4a: {  	[tilespmem:s4], [sflag:$0x1] =	stream.linear.gather [hbm4b:s26+s4], $0x80, $0x38;
	[tilespmem:$0x18100] =	vst v63  }
0x4b: {  	_ =	swait.ge [sflag:s21], $0x80  }
.Ltmp0:
0x4c: {  	s26 =	sand.u32 $0x7C00, s28;
	[sflag:s21] =	ssyncset.done $0x0;
	(pc) =	sbr.rel @p0 .LBB2_2-.Ltmp0, $4  }
0x4d: {  	s28 =	sand.u32 $0x380, s28;
	s26 =	sadd.s32 s7, s26;
	[sflag:s21] =	ssyncadd.s32 $0xFFFFFF80  }
0x4e: {  	[spmem:s2] =	stream.indirect.scatter.add.f32 [tilespmem:s17], [sflag:$0x3], $0x80, s19, s19, $0xb8;
	[tilespmem:$0x18100] =	vst v63  }
0x4f: {  	s26 =	sor.u32 s28, s26;
	_ =	swait.ge [sflag:s18], $0x4000  }
0x50: {  	s26 =	sshrl.u32 s26, $0x3;
	[sflag:s18] =	ssyncset.done $0x0  }
0x51: {  	[sflag:s18] =	ssyncadd.s32 $0xFFFFC000;
	s25 =	sadd.s32 s5, s26  }
0x52: {  	[tilespmem:s19], [sflag:$0x2] =	stream.linear.gather [hbm4b:s25+s4], $0x80, $0x38;
	[tilespmem:$0x18100] =	vst v63  }
0x53: {  	_ =	swait.ge [sflag:s20], $0x80  }
0x54: {  	[sflag:s20] =	ssyncset.done $0x0  }
0x55: {  	[sflag:s20] =	ssyncadd.s32 $0xFFFFFF80  }
0x56: {  	[spmem:s2] =	stream.indirect.scatter.add.f32 [tilespmem:s17], [sflag:$0x3], $0x80, s4, s19, $0xb8;
	[tilespmem:$0x18100] =	vst v63  }
0x57: {  	_ =	swait.ge [sflag:s18], $0x4000  }
0x58: {  	[sflag:s18] =	ssyncset.done $0x0  }
0x59: {  	[sflag:s18] =	ssyncadd.s32 $0xFFFFC000  }
0x5a: {  	_ =	swait.ge [sflag:s21], $0x80  }
0x5b: {  	[sflag:s21] =	ssyncset.done $0x0  }
0x5c: {  	[sflag:s21] =	ssyncadd.s32 $0xFFFFFF80  }
0x5d: {  	[spmem:s2] =	stream.indirect.scatter.add.f32 [tilespmem:s17], [sflag:$0x3], $0x80, s19, s19, $0xb8;
	[tilespmem:$0x18100] =	vst v63  }
0x5e: {  	_ =	swait.ge [sflag:s18], $0x4000  }
0x5f: {  	s24 =	sadd.s32 $0x1, s24;
	[sflag:s18] =	ssyncset.done $0x0  }
0x60: {  	p0 =	sne.s32 s24, s16;
	[sflag:s18] =	ssyncadd.s32 $0xFFFFC000  }
.Ltmp1:
0x61: {  	[bflag:$0x0] =	sbarrier.arrive $0xFFFF;
	(pc) =	sbr.rel @p0 .LBB2_1-.Ltmp1, $4  }
0x62: {  	[hbm:s15], [sflag:s22] =	dma.local [spmem:s23], $0x2800  }
0x63: {  	_ =	swait.ge [sflag:s18], $0x2800  }
0x64: {  	[sflag:s18] =	ssyncset.done $0x0  }
0x65: {  	[sflag:s18] =	ssyncadd.s32 $0xFFFFD800  }
0x66: {  	_ =	sfence.sel $0x180000  }
0x67: {  	[bflag:$0x0] =	sbarrier.arrive $0xFFFF  }
0x68: {  	p0 =	sne.s32 s3, $0x0;
	_ =	strace $0x90000047  }
0x69: {  	s0 =	sadd.s32 @!p0 $0x100000, s0;
	[bflag:$0x2] =	sbarrier.arrive $0xFFFF  }
0x6a: {  	[sflag:s0] =	ssyncadd.tile.s32 @!p0 $0x1;
	_ =	shalt  }
.Lfunc_end2:
_tile_overlayer_lowered:
.L_overlay_start_2:
0x6b: {  	(tag) =	ssettag $0x2  }
0x6c: {  	s0 =	rddreg [dreg:$0x0];
	s2 =	stileid.u32  }
0x6d: {  	s1 =	rddreg [dreg:$0x1];
	p0 =	sne.s32 s2, $0x0  }
0x6e: {  	s3 =	rddreg [dreg:$0x2];
	[bflag:$0x3] =	sbarrier.arrive $0xFFFF;
	s2 =	simm.s32 @!p0 $0x1C03  }
0x6f: {  	[timem:s3], [sflag:s2] =	dma.local @!p0 [hbm:s0], s1  }
0x70: {  	s0 =	simm.s32 @!p0 $0x3  }
0x71: {  	_ =	swait.ge @!p0 [sflag:s0], s1  }
0x72: {  	s1 =	ssub.s32 @!p0 $0x0, s1;
	[sflag:s0] =	ssyncset.done @!p0 $0x0  }
0x73: {  	[sflag:s0] =	ssyncadd.s32 @!p0 s1  }
0x74: {  	[bflag:$0x3] =	sbarrier.arrive $0xFFFF  }
0x75: {  	_ =	shalt  }

</sc_bundles>
